<compile_context>
chip_gen: v7x
topology: tpu7x:2x2x1
jax: 0.10.2.dev20260603
libtpu: 0.0.44.dev20260713+nightly
codegen_flags: <defaults>
</compile_context>

<pallas_src>
import functools

import numpy as np
import jax
import jax.numpy as jnp
from jax import lax
from jax.experimental import pallas as pl
from jax.experimental.pallas import tpu as pltpu
from jax.experimental.pallas import tpu_sc as plsc

PRIME = (1 << 31) - 1
DIM = 32
N_HASH = 2
BATCH = 16384
B_ROWS = 1_000_000
W_SIZE = 125_000

_rng = np.random.RandomState(1234)
_A0 = _rng.randint(1, PRIME, size=N_HASH)
_C0 = _rng.randint(0, PRIME, size=N_HASH)
_A1 = _rng.randint(1, PRIME, size=N_HASH)
_C1 = _rng.randint(0, PRIME, size=N_HASH)

NC, NS, L = 2, 16, 16
NW = NC * NS
BPW = BATCH // NW
G = BPW // L
IDX_C = 128
NCHUNK = BPW // IDX_C

_M16 = 0xFFFF
_M15 = 0x7FFF
_M31 = 0x7FFFFFFF


def _mod_p(v):
    r = (v >> jnp.uint32(31)) + (v & jnp.uint32(_M31))
    return jnp.where(r >= jnp.uint32(PRIME), r - jnp.uint32(PRIME), r)


def _hash16(x0, x1, a, c, r_range):
    a = int(a)
    c = int(c)
    a0 = a & _M16
    a1 = a >> 16
    t1 = x1 * jnp.uint32(2 * a1)
    m = x1 * jnp.uint32(a0) + x0 * jnp.uint32(a1)
    t2 = (m >> jnp.uint32(15)) + ((m & jnp.uint32(_M15)) << jnp.uint32(16))
    t3 = x0 * jnp.uint32(a0)
    s1 = _mod_p(t1 + jnp.uint32(c))
    u = _mod_p(_mod_p(t2) + _mod_p(t3))
    h = _mod_p(u + s1)
    hi = h.astype(jnp.int32)
    q = (hi.astype(jnp.float32) * np.float32(1.0 / r_range)).astype(jnp.int32)
    r = hi - q * jnp.int32(r_range)
    r = jnp.where(r < 0, r + jnp.int32(r_range), r)
    r = jnp.where(r >= jnp.int32(r_range), r - jnp.int32(r_range), r)
    return r


_mesh = plsc.VectorSubcoreMesh(core_axis_name="c", subcore_axis_name="s")


@functools.partial(
    pl.kernel,
    mesh=_mesh,
    out_type=jax.ShapeDtypeStruct((BATCH, DIM), jnp.float32),
    compiler_params=pltpu.CompilerParams(
        needs_layout_passes=False, use_tc_tiling_on_sc=False),
    scratch_types=[
        pltpu.VMEM((BPW,), jnp.int32),
        pltpu.VMEM((NCHUNK, IDX_C), jnp.int32),
        pltpu.VMEM((NCHUNK, IDX_C), jnp.int32),
        pltpu.VMEM((NCHUNK, IDX_C), jnp.int32),
        pltpu.VMEM((NCHUNK, IDX_C), jnp.int32),
        pltpu.VMEM((BPW, DIM), jnp.float32),
        pltpu.VMEM((BPW, DIM), jnp.float32),
        pltpu.VMEM((BPW,), jnp.float32),
        pltpu.VMEM((BPW,), jnp.float32),
        pltpu.VMEM((BPW, DIM), jnp.float32),
        pltpu.SemaphoreType.DMA,
        pltpu.SemaphoreType.DMA,
        pltpu.SemaphoreType.DMA,
        pltpu.SemaphoreType.DMA,
    ],
)
def _hash_embed(x_hbm, table_hbm, w_hbm, out_hbm,
                x_v, ia_v, ib_v, iwa_v, iwb_v,
                rows_a, rows_b, w_a, w_b, out_v,
                sem_a, sem_b, sem_wa, sem_wb):
    wid = lax.axis_index("s") * jnp.int32(NC) + lax.axis_index("c")
    base = wid * jnp.int32(BPW)
    pltpu.sync_copy(x_hbm.at[pl.ds(base, BPW)], x_v)

    def hash_body(g, carry):
        xv = x_v[pl.ds(g * jnp.int32(L), L)].astype(jnp.uint32)
        x0 = xv & jnp.uint32(_M16)
        x1 = xv >> jnp.uint32(16)
        row = g >> jnp.int32(3)
        col = (g & jnp.int32(7)) * jnp.int32(L)
        ia_v[row, pl.ds(col, L)] = _hash16(x0, x1, _A0[0], _C0[0], B_ROWS)
        ib_v[row, pl.ds(col, L)] = _hash16(x0, x1, _A0[1], _C0[1], B_ROWS)
        iwa_v[row, pl.ds(col, L)] = _hash16(x0, x1, _A1[0], _C1[0], W_SIZE)
        iwb_v[row, pl.ds(col, L)] = _hash16(x0, x1, _A1[1], _C1[1], W_SIZE)
        return carry

    lax.fori_loop(jnp.int32(0), jnp.int32(G), hash_body, jnp.int32(0))

    copies = []
    for j in range(NCHUNK):
        jj = jnp.int32(j)
        sl = pl.ds(jnp.int32(j * IDX_C), IDX_C)
        copies.append(pltpu.async_copy(
            table_hbm.at[ia_v.at[jj]], rows_a.at[sl], sem_a))
        copies.append(pltpu.async_copy(
            table_hbm.at[ib_v.at[jj]], rows_b.at[sl], sem_b))
        copies.append(pltpu.async_copy(
            w_hbm.at[iwa_v.at[jj]], w_a.at[sl], sem_wa))
        copies.append(pltpu.async_copy(
            w_hbm.at[iwb_v.at[jj]], w_b.at[sl], sem_wb))
    for c in copies:
        c.wait()

    def comb_body(b, carry):
        bb = jnp.full((L,), b, jnp.int32)
        wa = plsc.load_gather(w_a, [bb])
        wb = plsc.load_gather(w_b, [bb])
        a0 = rows_a[b, pl.ds(0, L)]
        a1 = rows_a[b, pl.ds(L, L)]
        b0 = rows_b[b, pl.ds(0, L)]
        b1 = rows_b[b, pl.ds(L, L)]
        out_v[b, pl.ds(0, L)] = wa * a0 + wb * b0
        out_v[b, pl.ds(L, L)] = wa * a1 + wb * b1
        return carry

    lax.fori_loop(jnp.int32(0), jnp.int32(BPW), comb_body, jnp.int32(0))

    pltpu.sync_copy(out_v, out_hbm.at[pl.ds(base, BPW)])


def kernel(x, table, weights):
    return _hash_embed(x.astype(jnp.int32), table, weights)

# --- scband reference (transcript-rebuilt; emitter-appended) ---
"""Pipeline reference for scband-hash-embedding-30623116820710 (READ-ONLY COPY).

The authoritative reference and input builder live on the scoring server;
editing this copy changes nothing except your own understanding.
"""

import jax, jax.numpy as jnp
import numpy as np

jax.config.update("jax_enable_x64", True)

NUM_PARAMS = 4_000_000
DIM = 32
N_HASH = 2
BATCH = 16384
ID_RANGE = 1_000_000
B_ROWS = max(NUM_PARAMS // (2 * N_HASH), 1)   # 1_000_000 table rows
K = max(NUM_PARAMS // (2 * DIM), 1)           # 62_500
W_SIZE = K * N_HASH                           # 125_000
PRIME = (1 << 31) - 1  # Mersenne prime for PolyHash

# Fixed random PolyHash coefficients (degree-1 polynomial hash per hash fn)
_rng = np.random.RandomState(1234)
A0 = jnp.asarray(_rng.randint(1, PRIME, size=N_HASH), dtype=jnp.int64)
C0 = jnp.asarray(_rng.randint(0, PRIME, size=N_HASH), dtype=jnp.int64)
A1 = jnp.asarray(_rng.randint(1, PRIME, size=N_HASH), dtype=jnp.int64)
C1 = jnp.asarray(_rng.randint(0, PRIME, size=N_HASH), dtype=jnp.int64)


def _poly_hash(x, a, c, out_range):
    # x: int64 [batch] -> int32 [batch, n_hash] in [0, out_range)
    h = (x.astype(jnp.int64)[..., None] * a + c) % PRIME
    return (h % out_range).astype(jnp.int32)


def setup_inputs(seed: int = 0) -> dict:
    key = jax.random.key(seed)
    k1, k2, k3 = jax.random.split(key, 3)
    x = jax.random.randint(k1, (BATCH,), 0, ID_RANGE, dtype=jnp.int64)
    bound = DIM ** (-0.5)
    table = jax.random.uniform(k2, (B_ROWS, DIM), minval=-bound, maxval=bound, dtype=jnp.float32)
    weights = jax.random.uniform(k3, (W_SIZE,), minval=-1.0, maxval=1.0, dtype=jnp.float32)
    return {"x": x, "table": table, "weights": weights}


def reference(x, table, weights):
    idx0 = _poly_hash(x, A0, C0, B_ROWS)    # [batch, n_hash]
    idx1 = _poly_hash(x, A1, C1, W_SIZE)    # [batch, n_hash]
    vecs = jnp.take(table, idx0, axis=0)    # [batch, n_hash, dim]  (gather)
    w = jnp.take(weights, idx1, axis=0)[:, None, :]  # [batch, 1, n_hash]
    out = jnp.matmul(w, vecs)               # [batch, 1, dim]
    return jnp.squeeze(out, axis=1)         # [batch, dim]

if __name__ == "__main__":
    import jax
    _d = setup_inputs()
    print(jax.jit(kernel)(*tuple(_d.values())))

</pallas_src>

<mosaic_0001>
#map = affine_map<(d0, d1) -> (0)>
#map1 = affine_map<(d0, d1) -> (0, 0)>
module attributes {stable_mosaic.version = 14 : i64} {
  func.func @_hash_embed(%arg0: i32, %arg1: i32, %arg2: memref<16384xi32, #tpu.memory_space<hbm>>, %arg3: memref<1000000x32xf32, #tpu.memory_space<hbm>>, %arg4: memref<125000xf32, #tpu.memory_space<hbm>>, %arg5: memref<16384x32xf32, #tpu.memory_space<hbm>>, %arg6: memref<512xi32, #tpu.memory_space<vmem>>, %arg7: memref<4x128xi32, #tpu.memory_space<vmem>>, %arg8: memref<4x128xi32, #tpu.memory_space<vmem>>, %arg9: memref<4x128xi32, #tpu.memory_space<vmem>>, %arg10: memref<4x128xi32, #tpu.memory_space<vmem>>, %arg11: memref<512x32xf32, #tpu.memory_space<vmem>>, %arg12: memref<512x32xf32, #tpu.memory_space<vmem>>, %arg13: memref<512xf32, #tpu.memory_space<vmem>>, %arg14: memref<512xf32, #tpu.memory_space<vmem>>, %arg15: memref<512x32xf32, #tpu.memory_space<vmem>>, %arg16: memref<!tpu.dma_semaphore, #tpu.memory_space<semaphore_mem>>, %arg17: memref<!tpu.dma_semaphore, #tpu.memory_space<semaphore_mem>>, %arg18: memref<!tpu.dma_semaphore, #tpu.memory_space<semaphore_mem>>, %arg19: memref<!tpu.dma_semaphore, #tpu.memory_space<semaphore_mem>>) attributes {dimension_semantics = [#tpu.dimension_semantics<core_parallel>, #tpu.dimension_semantics<subcore_parallel>], iteration_bounds = array<i64: 2, 16>, scalar_prefetch = 0 : i64, scratch_operands = 14 : i64, tpu.core_type = #tpu.core_type<sc_vector_subcore>, window_params = [{transform_indices = #map}, {transform_indices = #map1}, {transform_indices = #map}, {transform_indices = #map1}]} {
    %mul3A = arith.constant 2 : i32
    %mul3A_0 = arith.muli %arg1, %mul3A : i32
    %add3A = arith.addi %mul3A_0, %arg0 : i32
    %mul3A_1 = arith.constant 512 : i32
    %mul3A_2 = arith.muli %add3A, %mul3A_1 : i32
    "tpu.region"() ({
      %run_scoped3A = tpu.sem_alloc : memref<!tpu.dma_semaphore, #tpu.memory_space<semaphore_mem>>
      %dma_start3A_310 = tpu.memref_slice %arg2[%mul3A_2] : memref<16384xi32, #tpu.memory_space<hbm>> -> memref<512xi32, #tpu.memory_space<hbm>>
      %dma_start3A_311 = tpu.memref_slice %arg2[%mul3A_2] : memref<16384xi32, #tpu.memory_space<hbm>> -> memref<512xi32, #tpu.memory_space<hbm>>
      tpu.enqueue_dma source(%dma_start3A_311 : memref<512xi32, #tpu.memory_space<hbm>>) target(%arg6 : memref<512xi32, #tpu.memory_space<vmem>>) target_semaphore(%run_scoped3A : memref<!tpu.dma_semaphore, #tpu.memory_space<semaphore_mem>>)
      %dma_wait3A_312 = tpu.memref_slice %arg2[%mul3A_2] : memref<16384xi32, #tpu.memory_space<hbm>> -> memref<512xi32, #tpu.memory_space<hbm>>
      %dma_wait3A_313 = tpu.memref_slice %arg2[%mul3A_2] : memref<16384xi32, #tpu.memory_space<hbm>> -> memref<512xi32, #tpu.memory_space<hbm>>
      tpu.wait_dma2 semaphore(%run_scoped3A : memref<!tpu.dma_semaphore, #tpu.memory_space<semaphore_mem>>) src(%dma_wait3A_313 : memref<512xi32, #tpu.memory_space<hbm>>) dst(%arg6 : memref<512xi32, #tpu.memory_space<vmem>>)
      tpu.yield
    }) : () -> ()
    %while3A = arith.constant 0 : i32
    %while3A_3 = arith.constant 0 : i32
    %while3A_4 = arith.constant 32 : i32
    %while3A_5 = arith.subi %while3A_4, %while3A_3 : i32
    %while3A_6 = arith.addi %while3A_3, %while3A_5 : i32
    %while3A_7 = arith.constant 1 : i32
    %while3A_8 = arith.divsi %while3A_5, %while3A_7 : i32
    %while3A_9 = arith.muli %while3A_8, %while3A_7 : i32
    %while3A_10 = arith.addi %while3A_3, %while3A_9 : i32
    %while3A_11 = arith.constant 1 : i32
    scf.for %while3A_310 = %while3A_3 to %while3A_10 step %while3A_11  : i32 {
      %mul3A_311 = arith.constant 16 : i32
      %mul3A_312 = arith.muli %while3A_310, %mul3A_311 : i32
      %get3A = arith.index_cast %mul3A_312 : i32 to index
      %get3A_313 = tpu.vector_load %arg6[%get3A] {strides = array<i32>} : memref<512xi32, #tpu.memory_space<vmem>>, vector<16xi32>,
      %and3A = arith.constant 65535 : i32
      %and3A_314 = vector.broadcast %and3A : i32 to vector<16xi32>
      %and3A_315 = arith.andi %get3A_313, %and3A_314 : vector<16xi32>
      %shift_right_logical3A = arith.constant 16 : i32
      %shift_right_logical3A_316 = vector.broadcast %shift_right_logical3A : i32 to vector<16xi32>
      %shift_right_logical3A_317 = arith.shrui %get3A_313, %shift_right_logical3A_316 : vector<16xi32>
      %shift_right_arithmetic3A = arith.constant 3 : i32
      %shift_right_arithmetic3A_318 = arith.shrsi %while3A_310, %shift_right_arithmetic3A : i32
      %and3A_319 = arith.constant 7 : i32
      %and3A_320 = arith.andi %while3A_310, %and3A_319 : i32
      %mul3A_321 = arith.constant 16 : i32
      %mul3A_322 = arith.muli %and3A_320, %mul3A_321 : i32
      %mul3A_323 = arith.constant 25102 : i32
      %mul3A_324 = vector.broadcast %mul3A_323 : i32 to vector<16xi32>
      %mul3A_325 = arith.muli %shift_right_logical3A_317, %mul3A_324 : vector<16xi32>
      %mul3A_326 = arith.constant 27440 : i32
      %mul3A_327 = vector.broadcast %mul3A_326 : i32 to vector<16xi32>
      %mul3A_328 = arith.muli %shift_right_logical3A_317, %mul3A_327 : vector<16xi32>
      %mul3A_329 = arith.constant 12551 : i32
      %mul3A_330 = vector.broadcast %mul3A_329 : i32 to vector<16xi32>
      %mul3A_331 = arith.muli %and3A_315, %mul3A_330 : vector<16xi32>
      %add3A_332 = arith.addi %mul3A_328, %mul3A_331 : vector<16xi32>
      %shift_right_logical3A_333 = arith.constant 15 : i32
      %shift_right_logical3A_334 = vector.broadcast %shift_right_logical3A_333 : i32 to vector<16xi32>
      %shift_right_logical3A_335 = arith.shrui %add3A_332, %shift_right_logical3A_334 : vector<16xi32>
      %and3A_336 = arith.constant 32767 : i32
      %and3A_337 = vector.broadcast %and3A_336 : i32 to vector<16xi32>
      %and3A_338 = arith.andi %add3A_332, %and3A_337 : vector<16xi32>
      %shift_left3A = arith.constant 16 : i32
      %shift_left3A_339 = vector.broadcast %shift_left3A : i32 to vector<16xi32>
      %shift_left3A_340 = arith.shli %and3A_338, %shift_left3A_339 : vector<16xi32>
      %add3A_341 = arith.addi %shift_right_logical3A_335, %shift_left3A_340 : vector<16xi32>
      %mul3A_342 = arith.constant 27440 : i32
      %mul3A_343 = vector.broadcast %mul3A_342 : i32 to vector<16xi32>
      %mul3A_344 = arith.muli %and3A_315, %mul3A_343 : vector<16xi32>
      %add3A_345 = arith.constant 524453158 : i32
      %add3A_346 = vector.broadcast %add3A_345 : i32 to vector<16xi32>
      %add3A_347 = arith.addi %mul3A_325, %add3A_346 : vector<16xi32>
      %shift_right_logical3A_348 = arith.constant 31 : i32
      %shift_right_logical3A_349 = vector.broadcast %shift_right_logical3A_348 : i32 to vector<16xi32>
      %shift_right_logical3A_350 = arith.shrui %add3A_347, %shift_right_logical3A_349 : vector<16xi32>
      %and3A_351 = arith.constant 2147483647 : i32
      %and3A_352 = vector.broadcast %and3A_351 : i32 to vector<16xi32>
      %and3A_353 = arith.andi %add3A_347, %and3A_352 : vector<16xi32>
      %add3A_354 = arith.addi %shift_right_logical3A_350, %and3A_353 : vector<16xi32>
      %ge3A = arith.constant 2147483647 : i32
      %ge3A_355 = vector.broadcast %ge3A : i32 to vector<16xi32>
      %ge3A_356 = arith.cmpi uge, %add3A_354, %ge3A_355 : vector<16xi32>
      %sub3A = arith.constant 2147483647 : i32
      %sub3A_357 = vector.broadcast %sub3A : i32 to vector<16xi32>
      %sub3A_358 = arith.subi %add3A_354, %sub3A_357 : vector<16xi32>
      %select_n3A = arith.select %ge3A_356, %sub3A_358, %add3A_354 : vector<16xi1>, vector<16xi32>
      %shift_right_logical3A_359 = arith.constant 31 : i32
      %shift_right_logical3A_360 = vector.broadcast %shift_right_logical3A_359 : i32 to vector<16xi32>
      %shift_right_logical3A_361 = arith.shrui %add3A_341, %shift_right_logical3A_360 : vector<16xi32>
      %and3A_362 = arith.constant 2147483647 : i32
      %and3A_363 = vector.broadcast %and3A_362 : i32 to vector<16xi32>
      %and3A_364 = arith.andi %add3A_341, %and3A_363 : vector<16xi32>
      %add3A_365 = arith.addi %shift_right_logical3A_361, %and3A_364 : vector<16xi32>
      %ge3A_366 = arith.constant 2147483647 : i32
      %ge3A_367 = vector.broadcast %ge3A_366 : i32 to vector<16xi32>
      %ge3A_368 = arith.cmpi uge, %add3A_365, %ge3A_367 : vector<16xi32>
      %sub3A_369 = arith.constant 2147483647 : i32
      %sub3A_370 = vector.broadcast %sub3A_369 : i32 to vector<16xi32>
      %sub3A_371 = arith.subi %add3A_365, %sub3A_370 : vector<16xi32>
      %select_n3A_372 = arith.select %ge3A_368, %sub3A_371, %add3A_365 : vector<16xi1>, vector<16xi32>
      %shift_right_logical3A_373 = arith.constant 31 : i32
      %shift_right_logical3A_374 = vector.broadcast %shift_right_logical3A_373 : i32 to vector<16xi32>
      %shift_right_logical3A_375 = arith.shrui %mul3A_344, %shift_right_logical3A_374 : vector<16xi32>
      %and3A_376 = arith.constant 2147483647 : i32
      %and3A_377 = vector.broadcast %and3A_376 : i32 to vector<16xi32>
      %and3A_378 = arith.andi %mul3A_344, %and3A_377 : vector<16xi32>
      %add3A_379 = arith.addi %shift_right_logical3A_375, %and3A_378 : vector<16xi32>
      %ge3A_380 = arith.constant 2147483647 : i32
      %ge3A_381 = vector.broadcast %ge3A_380 : i32 to vector<16xi32>
      %ge3A_382 = arith.cmpi uge, %add3A_379, %ge3A_381 : vector<16xi32>
      %sub3A_383 = arith.constant 2147483647 : i32
      %sub3A_384 = vector.broadcast %sub3A_383 : i32 to vector<16xi32>
      %sub3A_385 = arith.subi %add3A_379, %sub3A_384 : vector<16xi32>
      %select_n3A_386 = arith.select %ge3A_382, %sub3A_385, %add3A_379 : vector<16xi1>, vector<16xi32>
      %add3A_387 = arith.addi %select_n3A_372, %select_n3A_386 : vector<16xi32>
      %shift_right_logical3A_388 = arith.constant 31 : i32
      %shift_right_logical3A_389 = vector.broadcast %shift_right_logical3A_388 : i32 to vector<16xi32>
      %shift_right_logical3A_390 = arith.shrui %add3A_387, %shift_right_logical3A_389 : vector<16xi32>
      %and3A_391 = arith.constant 2147483647 : i32
      %and3A_392 = vector.broadcast %and3A_391 : i32 to vector<16xi32>
      %and3A_393 = arith.andi %add3A_387, %and3A_392 : vector<16xi32>
      %add3A_394 = arith.addi %shift_right_logical3A_390, %and3A_393 : vector<16xi32>
      %ge3A_395 = arith.constant 2147483647 : i32
      %ge3A_396 = vector.broadcast %ge3A_395 : i32 to vector<16xi32>
      %ge3A_397 = arith.cmpi uge, %add3A_394, %ge3A_396 : vector<16xi32>
      %sub3A_398 = arith.constant 2147483647 : i32
      %sub3A_399 = vector.broadcast %sub3A_398 : i32 to vector<16xi32>
      %sub3A_400 = arith.subi %add3A_394, %sub3A_399 : vector<16xi32>
      %select_n3A_401 = arith.select %ge3A_397, %sub3A_400, %add3A_394 : vector<16xi1>, vector<16xi32>
      %add3A_402 = arith.addi %select_n3A_401, %select_n3A : vector<16xi32>
      %shift_right_logical3A_403 = arith.constant 31 : i32
      %shift_right_logical3A_404 = vector.broadcast %shift_right_logical3A_403 : i32 to vector<16xi32>
      %shift_right_logical3A_405 = arith.shrui %add3A_402, %shift_right_logical3A_404 : vector<16xi32>
      %and3A_406 = arith.constant 2147483647 : i32
      %and3A_407 = vector.broadcast %and3A_406 : i32 to vector<16xi32>
      %and3A_408 = arith.andi %add3A_402, %and3A_407 : vector<16xi32>
      %add3A_409 = arith.addi %shift_right_logical3A_405, %and3A_408 : vector<16xi32>
      %ge3A_410 = arith.constant 2147483647 : i32
      %ge3A_411 = vector.broadcast %ge3A_410 : i32 to vector<16xi32>
      %ge3A_412 = arith.cmpi uge, %add3A_409, %ge3A_411 : vector<16xi32>
      %sub3A_413 = arith.constant 2147483647 : i32
      %sub3A_414 = vector.broadcast %sub3A_413 : i32 to vector<16xi32>
      %sub3A_415 = arith.subi %add3A_409, %sub3A_414 : vector<16xi32>
      %select_n3A_416 = arith.select %ge3A_412, %sub3A_415, %add3A_409 : vector<16xi1>, vector<16xi32>
      %convert_element_type3A = arith.sitofp %select_n3A_416 : vector<16xi32> to vector<16xf32>
      %mul3A_417 = arith.constant 9.99999997E-7 : f32
      %mul3A_418 = vector.broadcast %mul3A_417 : f32 to vector<16xf32>
      %mul3A_419 = arith.mulf %convert_element_type3A, %mul3A_418 : vector<16xf32>
      %convert_element_type3A_420 = arith.fptosi %mul3A_419 : vector<16xf32> to vector<16xi32>
      %mul3A_421 = arith.constant 1000000 : i32
      %mul3A_422 = vector.broadcast %mul3A_421 : i32 to vector<16xi32>
      %mul3A_423 = arith.muli %convert_element_type3A_420, %mul3A_422 : vector<16xi32>
      %sub3A_424 = arith.subi %select_n3A_416, %mul3A_423 : vector<16xi32>
      %lt3A = arith.constant 0 : i32
      %lt3A_425 = vector.broadcast %lt3A : i32 to vector<16xi32>
      %lt3A_426 = arith.cmpi slt, %sub3A_424, %lt3A_425 : vector<16xi32>
      %add3A_427 = arith.constant 1000000 : i32
      %add3A_428 = vector.broadcast %add3A_427 : i32 to vector<16xi32>
      %add3A_429 = arith.addi %sub3A_424, %add3A_428 : vector<16xi32>
      %select_n3A_430 = arith.select %lt3A_426, %add3A_429, %sub3A_424 : vector<16xi1>, vector<16xi32>
      %ge3A_431 = arith.constant 1000000 : i32
      %ge3A_432 = vector.broadcast %ge3A_431 : i32 to vector<16xi32>
      %ge3A_433 = arith.cmpi sge, %select_n3A_430, %ge3A_432 : vector<16xi32>
      %sub3A_434 = arith.constant 1000000 : i32
      %sub3A_435 = vector.broadcast %sub3A_434 : i32 to vector<16xi32>
      %sub3A_436 = arith.subi %select_n3A_430, %sub3A_435 : vector<16xi32>
      %select_n3A_437 = arith.select %ge3A_433, %sub3A_436, %select_n3A_430 : vector<16xi1>, vector<16xi32>
      %swap3A = arith.index_cast %shift_right_arithmetic3A_318 : i32 to index
      %swap3A_438 = arith.index_cast %mul3A_322 : i32 to index
      %swap3A_439 = tpu.vector_load %arg7[%swap3A, %swap3A_438] {strides = array<i32>} : memref<4x128xi32, #tpu.memory_space<vmem>>, vector<16xi32>,
      tpu.vector_store %arg7[%swap3A, %swap3A_438], %select_n3A_437 {strides = array<i32>} : memref<4x128xi32, #tpu.memory_space<vmem>>, vector<16xi32>,
      %mul3A_440 = arith.constant 65228 : i32
      %mul3A_441 = vector.broadcast %mul3A_440 : i32 to vector<16xi32>
      %mul3A_442 = arith.muli %shift_right_logical3A_317, %mul3A_441 : vector<16xi32>
      %mul3A_443 = arith.constant 58068 : i32
      %mul3A_444 = vector.broadcast %mul3A_443 : i32 to vector<16xi32>
      %mul3A_445 = arith.muli %shift_right_logical3A_317, %mul3A_444 : vector<16xi32>
      %mul3A_446 = arith.constant 32614 : i32
      %mul3A_447 = vector.broadcast %mul3A_446 : i32 to vector<16xi32>
      %mul3A_448 = arith.muli %and3A_315, %mul3A_447 : vector<16xi32>
      %add3A_449 = arith.addi %mul3A_445, %mul3A_448 : vector<16xi32>
      %shift_right_logical3A_450 = arith.constant 15 : i32
      %shift_right_logical3A_451 = vector.broadcast %shift_right_logical3A_450 : i32 to vector<16xi32>
      %shift_right_logical3A_452 = arith.shrui %add3A_449, %shift_right_logical3A_451 : vector<16xi32>
      %and3A_453 = arith.constant 32767 : i32
      %and3A_454 = vector.broadcast %and3A_453 : i32 to vector<16xi32>
      %and3A_455 = arith.andi %add3A_449, %and3A_454 : vector<16xi32>
      %shift_left3A_456 = arith.constant 16 : i32
      %shift_left3A_457 = vector.broadcast %shift_left3A_456 : i32 to vector<16xi32>
      %shift_left3A_458 = arith.shli %and3A_455, %shift_left3A_457 : vector<16xi32>
      %add3A_459 = arith.addi %shift_right_logical3A_452, %shift_left3A_458 : vector<16xi32>
      %mul3A_460 = arith.constant 58068 : i32
      %mul3A_461 = vector.broadcast %mul3A_460 : i32 to vector<16xi32>
      %mul3A_462 = arith.muli %and3A_315, %mul3A_461 : vector<16xi32>
      %add3A_463 = arith.constant 1365105717 : i32
      %add3A_464 = vector.broadcast %add3A_463 : i32 to vector<16xi32>
      %add3A_465 = arith.addi %mul3A_442, %add3A_464 : vector<16xi32>
      %shift_right_logical3A_466 = arith.constant 31 : i32
      %shift_right_logical3A_467 = vector.broadcast %shift_right_logical3A_466 : i32 to vector<16xi32>
      %shift_right_logical3A_468 = arith.shrui %add3A_465, %shift_right_logical3A_467 : vector<16xi32>
      %and3A_469 = arith.constant 2147483647 : i32
      %and3A_470 = vector.broadcast %and3A_469 : i32 to vector<16xi32>
      %and3A_471 = arith.andi %add3A_465, %and3A_470 : vector<16xi32>
      %add3A_472 = arith.addi %shift_right_logical3A_468, %and3A_471 : vector<16xi32>
      %ge3A_473 = arith.constant 2147483647 : i32
      %ge3A_474 = vector.broadcast %ge3A_473 : i32 to vector<16xi32>
      %ge3A_475 = arith.cmpi uge, %add3A_472, %ge3A_474 : vector<16xi32>
      %sub3A_476 = arith.constant 2147483647 : i32
      %sub3A_477 = vector.broadcast %sub3A_476 : i32 to vector<16xi32>
      %sub3A_478 = arith.subi %add3A_472, %sub3A_477 : vector<16xi32>
      %select_n3A_479 = arith.select %ge3A_475, %sub3A_478, %add3A_472 : vector<16xi1>, vector<16xi32>
      %shift_right_logical3A_480 = arith.constant 31 : i32
      %shift_right_logical3A_481 = vector.broadcast %shift_right_logical3A_480 : i32 to vector<16xi32>
      %shift_right_logical3A_482 = arith.shrui %add3A_459, %shift_right_logical3A_481 : vector<16xi32>
      %and3A_483 = arith.constant 2147483647 : i32
      %and3A_484 = vector.broadcast %and3A_483 : i32 to vector<16xi32>
      %and3A_485 = arith.andi %add3A_459, %and3A_484 : vector<16xi32>
      %add3A_486 = arith.addi %shift_right_logical3A_482, %and3A_485 : vector<16xi32>
      %ge3A_487 = arith.constant 2147483647 : i32
      %ge3A_488 = vector.broadcast %ge3A_487 : i32 to vector<16xi32>
      %ge3A_489 = arith.cmpi uge, %add3A_486, %ge3A_488 : vector<16xi32>
      %sub3A_490 = arith.constant 2147483647 : i32
      %sub3A_491 = vector.broadcast %sub3A_490 : i32 to vector<16xi32>
      %sub3A_492 = arith.subi %add3A_486, %sub3A_491 : vector<16xi32>
      %select_n3A_493 = arith.select %ge3A_489, %sub3A_492, %add3A_486 : vector<16xi1>, vector<16xi32>
      %shift_right_logical3A_494 = arith.constant 31 : i32
      %shift_right_logical3A_495 = vector.broadcast %shift_right_logical3A_494 : i32 to vector<16xi32>
      %shift_right_logical3A_496 = arith.shrui %mul3A_462, %shift_right_logical3A_495 : vector<16xi32>
      %and3A_497 = arith.constant 2147483647 : i32
      %and3A_498 = vector.broadcast %and3A_497 : i32 to vector<16xi32>
      %and3A_499 = arith.andi %mul3A_462, %and3A_498 : vector<16xi32>
      %add3A_500 = arith.addi %shift_right_logical3A_496, %and3A_499 : vector<16xi32>
      %ge3A_501 = arith.constant 2147483647 : i32
      %ge3A_502 = vector.broadcast %ge3A_501 : i32 to vector<16xi32>
      %ge3A_503 = arith.cmpi uge, %add3A_500, %ge3A_502 : vector<16xi32>
      %sub3A_504 = arith.constant 2147483647 : i32
      %sub3A_505 = vector.broadcast %sub3A_504 : i32 to vector<16xi32>
      %sub3A_506 = arith.subi %add3A_500, %sub3A_505 : vector<16xi32>
      %select_n3A_507 = arith.select %ge3A_503, %sub3A_506, %add3A_500 : vector<16xi1>, vector<16xi32>
      %add3A_508 = arith.addi %select_n3A_493, %select_n3A_507 : vector<16xi32>
      %shift_right_logical3A_509 = arith.constant 31 : i32
      %shift_right_logical3A_510 = vector.broadcast %shift_right_logical3A_509 : i32 to vector<16xi32>
      %shift_right_logical3A_511 = arith.shrui %add3A_508, %shift_right_logical3A_510 : vector<16xi32>
      %and3A_512 = arith.constant 2147483647 : i32
      %and3A_513 = vector.broadcast %and3A_512 : i32 to vector<16xi32>
      %and3A_514 = arith.andi %add3A_508, %and3A_513 : vector<16xi32>
      %add3A_515 = arith.addi %shift_right_logical3A_511, %and3A_514 : vector<16xi32>
      %ge3A_516 = arith.constant 2147483647 : i32
      %ge3A_517 = vector.broadcast %ge3A_516 : i32 to vector<16xi32>
      %ge3A_518 = arith.cmpi uge, %add3A_515, %ge3A_517 : vector<16xi32>
      %sub3A_519 = arith.constant 2147483647 : i32
      %sub3A_520 = vector.broadcast %sub3A_519 : i32 to vector<16xi32>
      %sub3A_521 = arith.subi %add3A_515, %sub3A_520 : vector<16xi32>
      %select_n3A_522 = arith.select %ge3A_518, %sub3A_521, %add3A_515 : vector<16xi1>, vector<16xi32>
      %add3A_523 = arith.addi %select_n3A_522, %select_n3A_479 : vector<16xi32>
      %shift_right_logical3A_524 = arith.constant 31 : i32
      %shift_right_logical3A_525 = vector.broadcast %shift_right_logical3A_524 : i32 to vector<16xi32>
      %shift_right_logical3A_526 = arith.shrui %add3A_523, %shift_right_logical3A_525 : vector<16xi32>
      %and3A_527 = arith.constant 2147483647 : i32
      %and3A_528 = vector.broadcast %and3A_527 : i32 to vector<16xi32>
      %and3A_529 = arith.andi %add3A_523, %and3A_528 : vector<16xi32>
      %add3A_530 = arith.addi %shift_right_logical3A_526, %and3A_529 : vector<16xi32>
      %ge3A_531 = arith.constant 2147483647 : i32
      %ge3A_532 = vector.broadcast %ge3A_531 : i32 to vector<16xi32>
      %ge3A_533 = arith.cmpi uge, %add3A_530, %ge3A_532 : vector<16xi32>
      %sub3A_534 = arith.constant 2147483647 : i32
      %sub3A_535 = vector.broadcast %sub3A_534 : i32 to vector<16xi32>
      %sub3A_536 = arith.subi %add3A_530, %sub3A_535 : vector<16xi32>
      %select_n3A_537 = arith.select %ge3A_533, %sub3A_536, %add3A_530 : vector<16xi1>, vector<16xi32>
      %convert_element_type3A_538 = arith.sitofp %select_n3A_537 : vector<16xi32> to vector<16xf32>
      %mul3A_539 = arith.constant 9.99999997E-7 : f32
      %mul3A_540 = vector.broadcast %mul3A_539 : f32 to vector<16xf32>
      %mul3A_541 = arith.mulf %convert_element_type3A_538, %mul3A_540 : vector<16xf32>
      %convert_element_type3A_542 = arith.fptosi %mul3A_541 : vector<16xf32> to vector<16xi32>
      %mul3A_543 = arith.constant 1000000 : i32
      %mul3A_544 = vector.broadcast %mul3A_543 : i32 to vector<16xi32>
      %mul3A_545 = arith.muli %convert_element_type3A_542, %mul3A_544 : vector<16xi32>
      %sub3A_546 = arith.subi %select_n3A_537, %mul3A_545 : vector<16xi32>
      %lt3A_547 = arith.constant 0 : i32
      %lt3A_548 = vector.broadcast %lt3A_547 : i32 to vector<16xi32>
      %lt3A_549 = arith.cmpi slt, %sub3A_546, %lt3A_548 : vector<16xi32>
      %add3A_550 = arith.constant 1000000 : i32
      %add3A_551 = vector.broadcast %add3A_550 : i32 to vector<16xi32>
      %add3A_552 = arith.addi %sub3A_546, %add3A_551 : vector<16xi32>
      %select_n3A_553 = arith.select %lt3A_549, %add3A_552, %sub3A_546 : vector<16xi1>, vector<16xi32>
      %ge3A_554 = arith.constant 1000000 : i32
      %ge3A_555 = vector.broadcast %ge3A_554 : i32 to vector<16xi32>
      %ge3A_556 = arith.cmpi sge, %select_n3A_553, %ge3A_555 : vector<16xi32>
      %sub3A_557 = arith.constant 1000000 : i32
      %sub3A_558 = vector.broadcast %sub3A_557 : i32 to vector<16xi32>
      %sub3A_559 = arith.subi %select_n3A_553, %sub3A_558 : vector<16xi32>
      %select_n3A_560 = arith.select %ge3A_556, %sub3A_559, %select_n3A_553 : vector<16xi1>, vector<16xi32>
      %swap3A_561 = arith.index_cast %shift_right_arithmetic3A_318 : i32 to index
      %swap3A_562 = arith.index_cast %mul3A_322 : i32 to index
      %swap3A_563 = tpu.vector_load %arg8[%swap3A_561, %swap3A_562] {strides = array<i32>} : memref<4x128xi32, #tpu.memory_space<vmem>>, vector<16xi32>,
      tpu.vector_store %arg8[%swap3A_561, %swap3A_562], %select_n3A_560 {strides = array<i32>} : memref<4x128xi32, #tpu.memory_space<vmem>>, vector<16xi32>,
      %mul3A_564 = arith.constant 57372 : i32
      %mul3A_565 = vector.broadcast %mul3A_564 : i32 to vector<16xi32>
      %mul3A_566 = arith.muli %shift_right_logical3A_317, %mul3A_565 : vector<16xi32>
      %mul3A_567 = arith.constant 60621 : i32
      %mul3A_568 = vector.broadcast %mul3A_567 : i32 to vector<16xi32>
      %mul3A_569 = arith.muli %shift_right_logical3A_317, %mul3A_568 : vector<16xi32>
      %mul3A_570 = arith.constant 28686 : i32
      %mul3A_571 = vector.broadcast %mul3A_570 : i32 to vector<16xi32>
      %mul3A_572 = arith.muli %and3A_315, %mul3A_571 : vector<16xi32>
      %add3A_573 = arith.addi %mul3A_569, %mul3A_572 : vector<16xi32>
      %shift_right_logical3A_574 = arith.constant 15 : i32
      %shift_right_logical3A_575 = vector.broadcast %shift_right_logical3A_574 : i32 to vector<16xi32>
      %shift_right_logical3A_576 = arith.shrui %add3A_573, %shift_right_logical3A_575 : vector<16xi32>
      %and3A_577 = arith.constant 32767 : i32
      %and3A_578 = vector.broadcast %and3A_577 : i32 to vector<16xi32>
      %and3A_579 = arith.andi %add3A_573, %and3A_578 : vector<16xi32>
      %shift_left3A_580 = arith.constant 16 : i32
      %shift_left3A_581 = vector.broadcast %shift_left3A_580 : i32 to vector<16xi32>
      %shift_left3A_582 = arith.shli %and3A_579, %shift_left3A_581 : vector<16xi32>
      %add3A_583 = arith.addi %shift_right_logical3A_576, %shift_left3A_582 : vector<16xi32>
      %mul3A_584 = arith.constant 60621 : i32
      %mul3A_585 = vector.broadcast %mul3A_584 : i32 to vector<16xi32>
      %mul3A_586 = arith.muli %and3A_315, %mul3A_585 : vector<16xi32>
      %add3A_587 = arith.constant 1225605784 : i32
      %add3A_588 = vector.broadcast %add3A_587 : i32 to vector<16xi32>
      %add3A_589 = arith.addi %mul3A_566, %add3A_588 : vector<16xi32>
      %shift_right_logical3A_590 = arith.constant 31 : i32
      %shift_right_logical3A_591 = vector.broadcast %shift_right_logical3A_590 : i32 to vector<16xi32>
      %shift_right_logical3A_592 = arith.shrui %add3A_589, %shift_right_logical3A_591 : vector<16xi32>
      %and3A_593 = arith.constant 2147483647 : i32
      %and3A_594 = vector.broadcast %and3A_593 : i32 to vector<16xi32>
      %and3A_595 = arith.andi %add3A_589, %and3A_594 : vector<16xi32>
      %add3A_596 = arith.addi %shift_right_logical3A_592, %and3A_595 : vector<16xi32>
      %ge3A_597 = arith.constant 2147483647 : i32
      %ge3A_598 = vector.broadcast %ge3A_597 : i32 to vector<16xi32>
      %ge3A_599 = arith.cmpi uge, %add3A_596, %ge3A_598 : vector<16xi32>
      %sub3A_600 = arith.constant 2147483647 : i32
      %sub3A_601 = vector.broadcast %sub3A_600 : i32 to vector<16xi32>
      %sub3A_602 = arith.subi %add3A_596, %sub3A_601 : vector<16xi32>
      %select_n3A_603 = arith.select %ge3A_599, %sub3A_602, %add3A_596 : vector<16xi1>, vector<16xi32>
      %shift_right_logical3A_604 = arith.constant 31 : i32
      %shift_right_logical3A_605 = vector.broadcast %shift_right_logical3A_604 : i32 to vector<16xi32>
      %shift_right_logical3A_606 = arith.shrui %add3A_583, %shift_right_logical3A_605 : vector<16xi32>
      %and3A_607 = arith.constant 2147483647 : i32
      %and3A_608 = vector.broadcast %and3A_607 : i32 to vector<16xi32>
      %and3A_609 = arith.andi %add3A_583, %and3A_608 : vector<16xi32>
      %add3A_610 = arith.addi %shift_right_logical3A_606, %and3A_609 : vector<16xi32>
      %ge3A_611 = arith.constant 2147483647 : i32
      %ge3A_612 = vector.broadcast %ge3A_611 : i32 to vector<16xi32>
      %ge3A_613 = arith.cmpi uge, %add3A_610, %ge3A_612 : vector<16xi32>
      %sub3A_614 = arith.constant 2147483647 : i32
      %sub3A_615 = vector.broadcast %sub3A_614 : i32 to vector<16xi32>
      %sub3A_616 = arith.subi %add3A_610, %sub3A_615 : vector<16xi32>
      %select_n3A_617 = arith.select %ge3A_613, %sub3A_616, %add3A_610 : vector<16xi1>, vector<16xi32>
      %shift_right_logical3A_618 = arith.constant 31 : i32
      %shift_right_logical3A_619 = vector.broadcast %shift_right_logical3A_618 : i32 to vector<16xi32>
      %shift_right_logical3A_620 = arith.shrui %mul3A_586, %shift_right_logical3A_619 : vector<16xi32>
      %and3A_621 = arith.constant 2147483647 : i32
      %and3A_622 = vector.broadcast %and3A_621 : i32 to vector<16xi32>
      %and3A_623 = arith.andi %mul3A_586, %and3A_622 : vector<16xi32>
      %add3A_624 = arith.addi %shift_right_logical3A_620, %and3A_623 : vector<16xi32>
      %ge3A_625 = arith.constant 2147483647 : i32
      %ge3A_626 = vector.broadcast %ge3A_625 : i32 to vector<16xi32>
      %ge3A_627 = arith.cmpi uge, %add3A_624, %ge3A_626 : vector<16xi32>
      %sub3A_628 = arith.constant 2147483647 : i32
      %sub3A_629 = vector.broadcast %sub3A_628 : i32 to vector<16xi32>
      %sub3A_630 = arith.subi %add3A_624, %sub3A_629 : vector<16xi32>
      %select_n3A_631 = arith.select %ge3A_627, %sub3A_630, %add3A_624 : vector<16xi1>, vector<16xi32>
      %add3A_632 = arith.addi %select_n3A_617, %select_n3A_631 : vector<16xi32>
      %shift_right_logical3A_633 = arith.constant 31 : i32
      %shift_right_logical3A_634 = vector.broadcast %shift_right_logical3A_633 : i32 to vector<16xi32>
      %shift_right_logical3A_635 = arith.shrui %add3A_632, %shift_right_logical3A_634 : vector<16xi32>
      %and3A_636 = arith.constant 2147483647 : i32
      %and3A_637 = vector.broadcast %and3A_636 : i32 to vector<16xi32>
      %and3A_638 = arith.andi %add3A_632, %and3A_637 : vector<16xi32>
      %add3A_639 = arith.addi %shift_right_logical3A_635, %and3A_638 : vector<16xi32>
      %ge3A_640 = arith.constant 2147483647 : i32
      %ge3A_641 = vector.broadcast %ge3A_640 : i32 to vector<16xi32>
      %ge3A_642 = arith.cmpi uge, %add3A_639, %ge3A_641 : vector<16xi32>
      %sub3A_643 = arith.constant 2147483647 : i32
      %sub3A_644 = vector.broadcast %sub3A_643 : i32 to vector<16xi32>
      %sub3A_645 = arith.subi %add3A_639, %sub3A_644 : vector<16xi32>
      %select_n3A_646 = arith.select %ge3A_642, %sub3A_645, %add3A_639 : vector<16xi1>, vector<16xi32>
      %add3A_647 = arith.addi %select_n3A_646, %select_n3A_603 : vector<16xi32>
      %shift_right_logical3A_648 = arith.constant 31 : i32
      %shift_right_logical3A_649 = vector.broadcast %shift_right_logical3A_648 : i32 to vector<16xi32>
      %shift_right_logical3A_650 = arith.shrui %add3A_647, %shift_right_logical3A_649 : vector<16xi32>
      %and3A_651 = arith.constant 2147483647 : i32
      %and3A_652 = vector.broadcast %and3A_651 : i32 to vector<16xi32>
      %and3A_653 = arith.andi %add3A_647, %and3A_652 : vector<16xi32>
      %add3A_654 = arith.addi %shift_right_logical3A_650, %and3A_653 : vector<16xi32>
      %ge3A_655 = arith.constant 2147483647 : i32
      %ge3A_656 = vector.broadcast %ge3A_655 : i32 to vector<16xi32>
      %ge3A_657 = arith.cmpi uge, %add3A_654, %ge3A_656 : vector<16xi32>
      %sub3A_658 = arith.constant 2147483647 : i32
      %sub3A_659 = vector.broadcast %sub3A_658 : i32 to vector<16xi32>
      %sub3A_660 = arith.subi %add3A_654, %sub3A_659 : vector<16xi32>
      %select_n3A_661 = arith.select %ge3A_657, %sub3A_660, %add3A_654 : vector<16xi1>, vector<16xi32>
      %convert_element_type3A_662 = arith.sitofp %select_n3A_661 : vector<16xi32> to vector<16xf32>
      %mul3A_663 = arith.constant 8.000000e-06 : f32
      %mul3A_664 = vector.broadcast %mul3A_663 : f32 to vector<16xf32>
      %mul3A_665 = arith.mulf %convert_element_type3A_662, %mul3A_664 : vector<16xf32>
      %convert_element_type3A_666 = arith.fptosi %mul3A_665 : vector<16xf32> to vector<16xi32>
      %mul3A_667 = arith.constant 125000 : i32
      %mul3A_668 = vector.broadcast %mul3A_667 : i32 to vector<16xi32>
      %mul3A_669 = arith.muli %convert_element_type3A_666, %mul3A_668 : vector<16xi32>
      %sub3A_670 = arith.subi %select_n3A_661, %mul3A_669 : vector<16xi32>
      %lt3A_671 = arith.constant 0 : i32
      %lt3A_672 = vector.broadcast %lt3A_671 : i32 to vector<16xi32>
      %lt3A_673 = arith.cmpi slt, %sub3A_670, %lt3A_672 : vector<16xi32>
      %add3A_674 = arith.constant 125000 : i32
      %add3A_675 = vector.broadcast %add3A_674 : i32 to vector<16xi32>
      %add3A_676 = arith.addi %sub3A_670, %add3A_675 : vector<16xi32>
      %select_n3A_677 = arith.select %lt3A_673, %add3A_676, %sub3A_670 : vector<16xi1>, vector<16xi32>
      %ge3A_678 = arith.constant 125000 : i32
      %ge3A_679 = vector.broadcast %ge3A_678 : i32 to vector<16xi32>
      %ge3A_680 = arith.cmpi sge, %select_n3A_677, %ge3A_679 : vector<16xi32>
      %sub3A_681 = arith.constant 125000 : i32
      %sub3A_682 = vector.broadcast %sub3A_681 : i32 to vector<16xi32>
      %sub3A_683 = arith.subi %select_n3A_677, %sub3A_682 : vector<16xi32>
      %select_n3A_684 = arith.select %ge3A_680, %sub3A_683, %select_n3A_677 : vector<16xi1>, vector<16xi32>
      %swap3A_685 = arith.index_cast %shift_right_arithmetic3A_318 : i32 to index
      %swap3A_686 = arith.index_cast %mul3A_322 : i32 to index
      %swap3A_687 = tpu.vector_load %arg9[%swap3A_685, %swap3A_686] {strides = array<i32>} : memref<4x128xi32, #tpu.memory_space<vmem>>, vector<16xi32>,
      tpu.vector_store %arg9[%swap3A_685, %swap3A_686], %select_n3A_684 {strides = array<i32>} : memref<4x128xi32, #tpu.memory_space<vmem>>, vector<16xi32>,
      %mul3A_688 = arith.constant 14694 : i32
      %mul3A_689 = vector.broadcast %mul3A_688 : i32 to vector<16xi32>
      %mul3A_690 = arith.muli %shift_right_logical3A_317, %mul3A_689 : vector<16xi32>
      %mul3A_691 = arith.constant 23925 : i32
      %mul3A_692 = vector.broadcast %mul3A_691 : i32 to vector<16xi32>
      %mul3A_693 = arith.muli %shift_right_logical3A_317, %mul3A_692 : vector<16xi32>
      %mul3A_694 = arith.constant 7347 : i32
      %mul3A_695 = vector.broadcast %mul3A_694 : i32 to vector<16xi32>
      %mul3A_696 = arith.muli %and3A_315, %mul3A_695 : vector<16xi32>
      %add3A_697 = arith.addi %mul3A_693, %mul3A_696 : vector<16xi32>
      %shift_right_logical3A_698 = arith.constant 15 : i32
      %shift_right_logical3A_699 = vector.broadcast %shift_right_logical3A_698 : i32 to vector<16xi32>
      %shift_right_logical3A_700 = arith.shrui %add3A_697, %shift_right_logical3A_699 : vector<16xi32>
      %and3A_701 = arith.constant 32767 : i32
      %and3A_702 = vector.broadcast %and3A_701 : i32 to vector<16xi32>
      %and3A_703 = arith.andi %add3A_697, %and3A_702 : vector<16xi32>
      %shift_left3A_704 = arith.constant 16 : i32
      %shift_left3A_705 = vector.broadcast %shift_left3A_704 : i32 to vector<16xi32>
      %shift_left3A_706 = arith.shli %and3A_703, %shift_left3A_705 : vector<16xi32>
      %add3A_707 = arith.addi %shift_right_logical3A_700, %shift_left3A_706 : vector<16xi32>
      %mul3A_708 = arith.constant 23925 : i32
      %mul3A_709 = vector.broadcast %mul3A_708 : i32 to vector<16xi32>
      %mul3A_710 = arith.muli %and3A_315, %mul3A_709 : vector<16xi32>
      %add3A_711 = arith.constant 1165481977 : i32
      %add3A_712 = vector.broadcast %add3A_711 : i32 to vector<16xi32>
      %add3A_713 = arith.addi %mul3A_690, %add3A_712 : vector<16xi32>
      %shift_right_logical3A_714 = arith.constant 31 : i32
      %shift_right_logical3A_715 = vector.broadcast %shift_right_logical3A_714 : i32 to vector<16xi32>
      %shift_right_logical3A_716 = arith.shrui %add3A_713, %shift_right_logical3A_715 : vector<16xi32>
      %and3A_717 = arith.constant 2147483647 : i32
      %and3A_718 = vector.broadcast %and3A_717 : i32 to vector<16xi32>
      %and3A_719 = arith.andi %add3A_713, %and3A_718 : vector<16xi32>
      %add3A_720 = arith.addi %shift_right_logical3A_716, %and3A_719 : vector<16xi32>
      %ge3A_721 = arith.constant 2147483647 : i32
      %ge3A_722 = vector.broadcast %ge3A_721 : i32 to vector<16xi32>
      %ge3A_723 = arith.cmpi uge, %add3A_720, %ge3A_722 : vector<16xi32>
      %sub3A_724 = arith.constant 2147483647 : i32
      %sub3A_725 = vector.broadcast %sub3A_724 : i32 to vector<16xi32>
      %sub3A_726 = arith.subi %add3A_720, %sub3A_725 : vector<16xi32>
      %select_n3A_727 = arith.select %ge3A_723, %sub3A_726, %add3A_720 : vector<16xi1>, vector<16xi32>
      %shift_right_logical3A_728 = arith.constant 31 : i32
      %shift_right_logical3A_729 = vector.broadcast %shift_right_logical3A_728 : i32 to vector<16xi32>
      %shift_right_logical3A_730 = arith.shrui %add3A_707, %shift_right_logical3A_729 : vector<16xi32>
      %and3A_731 = arith.constant 2147483647 : i32
      %and3A_732 = vector.broadcast %and3A_731 : i32 to vector<16xi32>
      %and3A_733 = arith.andi %add3A_707, %and3A_732 : vector<16xi32>
      %add3A_734 = arith.addi %shift_right_logical3A_730, %and3A_733 : vector<16xi32>
      %ge3A_735 = arith.constant 2147483647 : i32
      %ge3A_736 = vector.broadcast %ge3A_735 : i32 to vector<16xi32>
      %ge3A_737 = arith.cmpi uge, %add3A_734, %ge3A_736 : vector<16xi32>
      %sub3A_738 = arith.constant 2147483647 : i32
      %sub3A_739 = vector.broadcast %sub3A_738 : i32 to vector<16xi32>
      %sub3A_740 = arith.subi %add3A_734, %sub3A_739 : vector<16xi32>
      %select_n3A_741 = arith.select %ge3A_737, %sub3A_740, %add3A_734 : vector<16xi1>, vector<16xi32>
      %shift_right_logical3A_742 = arith.constant 31 : i32
      %shift_right_logical3A_743 = vector.broadcast %shift_right_logical3A_742 : i32 to vector<16xi32>
      %shift_right_logical3A_744 = arith.shrui %mul3A_710, %shift_right_logical3A_743 : vector<16xi32>
      %and3A_745 = arith.constant 2147483647 : i32
      %and3A_746 = vector.broadcast %and3A_745 : i32 to vector<16xi32>
      %and3A_747 = arith.andi %mul3A_710, %and3A_746 : vector<16xi32>
      %add3A_748 = arith.addi %shift_right_logical3A_744, %and3A_747 : vector<16xi32>
      %ge3A_749 = arith.constant 2147483647 : i32
      %ge3A_750 = vector.broadcast %ge3A_749 : i32 to vector<16xi32>
      %ge3A_751 = arith.cmpi uge, %add3A_748, %ge3A_750 : vector<16xi32>
      %sub3A_752 = arith.constant 2147483647 : i32
      %sub3A_753 = vector.broadcast %sub3A_752 : i32 to vector<16xi32>
      %sub3A_754 = arith.subi %add3A_748, %sub3A_753 : vector<16xi32>
      %select_n3A_755 = arith.select %ge3A_751, %sub3A_754, %add3A_748 : vector<16xi1>, vector<16xi32>
      %add3A_756 = arith.addi %select_n3A_741, %select_n3A_755 : vector<16xi32>
      %shift_right_logical3A_757 = arith.constant 31 : i32
      %shift_right_logical3A_758 = vector.broadcast %shift_right_logical3A_757 : i32 to vector<16xi32>
      %shift_right_logical3A_759 = arith.shrui %add3A_756, %shift_right_logical3A_758 : vector<16xi32>
      %and3A_760 = arith.constant 2147483647 : i32
      %and3A_761 = vector.broadcast %and3A_760 : i32 to vector<16xi32>
      %and3A_762 = arith.andi %add3A_756, %and3A_761 : vector<16xi32>
      %add3A_763 = arith.addi %shift_right_logical3A_759, %and3A_762 : vector<16xi32>
      %ge3A_764 = arith.constant 2147483647 : i32
      %ge3A_765 = vector.broadcast %ge3A_764 : i32 to vector<16xi32>
      %ge3A_766 = arith.cmpi uge, %add3A_763, %ge3A_765 : vector<16xi32>
      %sub3A_767 = arith.constant 2147483647 : i32
      %sub3A_768 = vector.broadcast %sub3A_767 : i32 to vector<16xi32>
      %sub3A_769 = arith.subi %add3A_763, %sub3A_768 : vector<16xi32>
      %select_n3A_770 = arith.select %ge3A_766, %sub3A_769, %add3A_763 : vector<16xi1>, vector<16xi32>
      %add3A_771 = arith.addi %select_n3A_770, %select_n3A_727 : vector<16xi32>
      %shift_right_logical3A_772 = arith.constant 31 : i32
      %shift_right_logical3A_773 = vector.broadcast %shift_right_logical3A_772 : i32 to vector<16xi32>
      %shift_right_logical3A_774 = arith.shrui %add3A_771, %shift_right_logical3A_773 : vector<16xi32>
      %and3A_775 = arith.constant 2147483647 : i32
      %and3A_776 = vector.broadcast %and3A_775 : i32 to vector<16xi32>
      %and3A_777 = arith.andi %add3A_771, %and3A_776 : vector<16xi32>
      %add3A_778 = arith.addi %shift_right_logical3A_774, %and3A_777 : vector<16xi32>
      %ge3A_779 = arith.constant 2147483647 : i32
      %ge3A_780 = vector.broadcast %ge3A_779 : i32 to vector<16xi32>
      %ge3A_781 = arith.cmpi uge, %add3A_778, %ge3A_780 : vector<16xi32>
      %sub3A_782 = arith.constant 2147483647 : i32
      %sub3A_783 = vector.broadcast %sub3A_782 : i32 to vector<16xi32>
      %sub3A_784 = arith.subi %add3A_778, %sub3A_783 : vector<16xi32>
      %select_n3A_785 = arith.select %ge3A_781, %sub3A_784, %add3A_778 : vector<16xi1>, vector<16xi32>
      %convert_element_type3A_786 = arith.sitofp %select_n3A_785 : vector<16xi32> to vector<16xf32>
      %mul3A_787 = arith.constant 8.000000e-06 : f32
      %mul3A_788 = vector.broadcast %mul3A_787 : f32 to vector<16xf32>
      %mul3A_789 = arith.mulf %convert_element_type3A_786, %mul3A_788 : vector<16xf32>
      %convert_element_type3A_790 = arith.fptosi %mul3A_789 : vector<16xf32> to vector<16xi32>
      %mul3A_791 = arith.constant 125000 : i32
      %mul3A_792 = vector.broadcast %mul3A_791 : i32 to vector<16xi32>
      %mul3A_793 = arith.muli %convert_element_type3A_790, %mul3A_792 : vector<16xi32>
      %sub3A_794 = arith.subi %select_n3A_785, %mul3A_793 : vector<16xi32>
      %lt3A_795 = arith.constant 0 : i32
      %lt3A_796 = vector.broadcast %lt3A_795 : i32 to vector<16xi32>
      %lt3A_797 = arith.cmpi slt, %sub3A_794, %lt3A_796 : vector<16xi32>
      %add3A_798 = arith.constant 125000 : i32
      %add3A_799 = vector.broadcast %add3A_798 : i32 to vector<16xi32>
      %add3A_800 = arith.addi %sub3A_794, %add3A_799 : vector<16xi32>
      %select_n3A_801 = arith.select %lt3A_797, %add3A_800, %sub3A_794 : vector<16xi1>, vector<16xi32>
      %ge3A_802 = arith.constant 125000 : i32
      %ge3A_803 = vector.broadcast %ge3A_802 : i32 to vector<16xi32>
      %ge3A_804 = arith.cmpi sge, %select_n3A_801, %ge3A_803 : vector<16xi32>
      %sub3A_805 = arith.constant 125000 : i32
      %sub3A_806 = vector.broadcast %sub3A_805 : i32 to vector<16xi32>
      %sub3A_807 = arith.subi %select_n3A_801, %sub3A_806 : vector<16xi32>
      %select_n3A_808 = arith.select %ge3A_804, %sub3A_807, %select_n3A_801 : vector<16xi1>, vector<16xi32>
      %swap3A_809 = arith.index_cast %shift_right_arithmetic3A_318 : i32 to index
      %swap3A_810 = arith.index_cast %mul3A_322 : i32 to index
      %swap3A_811 = tpu.vector_load %arg10[%swap3A_809, %swap3A_810] {strides = array<i32>} : memref<4x128xi32, #tpu.memory_space<vmem>>, vector<16xi32>,
      tpu.vector_store %arg10[%swap3A_809, %swap3A_810], %select_n3A_808 {strides = array<i32>} : memref<4x128xi32, #tpu.memory_space<vmem>>, vector<16xi32>,
    }
    %while3A_12 = arith.constant 1 : i32
    scf.for %while3A_310 = %while3A_10 to %while3A_6 step %while3A_12  : i32 {
      %mul3A_311 = arith.constant 16 : i32
      %mul3A_312 = arith.muli %while3A_310, %mul3A_311 : i32
      %get3A = arith.index_cast %mul3A_312 : i32 to index
      %get3A_313 = tpu.vector_load %arg6[%get3A] {strides = array<i32>} : memref<512xi32, #tpu.memory_space<vmem>>, vector<16xi32>,
      %and3A = arith.constant 65535 : i32
      %and3A_314 = vector.broadcast %and3A : i32 to vector<16xi32>
      %and3A_315 = arith.andi %get3A_313, %and3A_314 : vector<16xi32>
      %shift_right_logical3A = arith.constant 16 : i32
      %shift_right_logical3A_316 = vector.broadcast %shift_right_logical3A : i32 to vector<16xi32>
      %shift_right_logical3A_317 = arith.shrui %get3A_313, %shift_right_logical3A_316 : vector<16xi32>
      %shift_right_arithmetic3A = arith.constant 3 : i32
      %shift_right_arithmetic3A_318 = arith.shrsi %while3A_310, %shift_right_arithmetic3A : i32
      %and3A_319 = arith.constant 7 : i32
      %and3A_320 = arith.andi %while3A_310, %and3A_319 : i32
      %mul3A_321 = arith.constant 16 : i32
      %mul3A_322 = arith.muli %and3A_320, %mul3A_321 : i32
      %mul3A_323 = arith.constant 25102 : i32
      %mul3A_324 = vector.broadcast %mul3A_323 : i32 to vector<16xi32>
      %mul3A_325 = arith.muli %shift_right_logical3A_317, %mul3A_324 : vector<16xi32>
      %mul3A_326 = arith.constant 27440 : i32
      %mul3A_327 = vector.broadcast %mul3A_326 : i32 to vector<16xi32>
      %mul3A_328 = arith.muli %shift_right_logical3A_317, %mul3A_327 : vector<16xi32>
      %mul3A_329 = arith.constant 12551 : i32
      %mul3A_330 = vector.broadcast %mul3A_329 : i32 to vector<16xi32>
      %mul3A_331 = arith.muli %and3A_315, %mul3A_330 : vector<16xi32>
      %add3A_332 = arith.addi %mul3A_328, %mul3A_331 : vector<16xi32>
      %shift_right_logical3A_333 = arith.constant 15 : i32
      %shift_right_logical3A_334 = vector.broadcast %shift_right_logical3A_333 : i32 to vector<16xi32>
      %shift_right_logical3A_335 = arith.shrui %add3A_332, %shift_right_logical3A_334 : vector<16xi32>
      %and3A_336 = arith.constant 32767 : i32
      %and3A_337 = vector.broadcast %and3A_336 : i32 to vector<16xi32>
      %and3A_338 = arith.andi %add3A_332, %and3A_337 : vector<16xi32>
      %shift_left3A = arith.constant 16 : i32
      %shift_left3A_339 = vector.broadcast %shift_left3A : i32 to vector<16xi32>
      %shift_left3A_340 = arith.shli %and3A_338, %shift_left3A_339 : vector<16xi32>
      %add3A_341 = arith.addi %shift_right_logical3A_335, %shift_left3A_340 : vector<16xi32>
      %mul3A_342 = arith.constant 27440 : i32
      %mul3A_343 = vector.broadcast %mul3A_342 : i32 to vector<16xi32>
      %mul3A_344 = arith.muli %and3A_315, %mul3A_343 : vector<16xi32>
      %add3A_345 = arith.constant 524453158 : i32
      %add3A_346 = vector.broadcast %add3A_345 : i32 to vector<16xi32>
      %add3A_347 = arith.addi %mul3A_325, %add3A_346 : vector<16xi32>
      %shift_right_logical3A_348 = arith.constant 31 : i32
      %shift_right_logical3A_349 = vector.broadcast %shift_right_logical3A_348 : i32 to vector<16xi32>
      %shift_right_logical3A_350 = arith.shrui %add3A_347, %shift_right_logical3A_349 : vector<16xi32>
      %and3A_351 = arith.constant 2147483647 : i32
      %and3A_352 = vector.broadcast %and3A_351 : i32 to vector<16xi32>
      %and3A_353 = arith.andi %add3A_347, %and3A_352 : vector<16xi32>
      %add3A_354 = arith.addi %shift_right_logical3A_350, %and3A_353 : vector<16xi32>
      %ge3A = arith.constant 2147483647 : i32
      %ge3A_355 = vector.broadcast %ge3A : i32 to vector<16xi32>
      %ge3A_356 = arith.cmpi uge, %add3A_354, %ge3A_355 : vector<16xi32>
      %sub3A = arith.constant 2147483647 : i32
      %sub3A_357 = vector.broadcast %sub3A : i32 to vector<16xi32>
      %sub3A_358 = arith.subi %add3A_354, %sub3A_357 : vector<16xi32>
      %select_n3A = arith.select %ge3A_356, %sub3A_358, %add3A_354 : vector<16xi1>, vector<16xi32>
      %shift_right_logical3A_359 = arith.constant 31 : i32
      %shift_right_logical3A_360 = vector.broadcast %shift_right_logical3A_359 : i32 to vector<16xi32>
      %shift_right_logical3A_361 = arith.shrui %add3A_341, %shift_right_logical3A_360 : vector<16xi32>
      %and3A_362 = arith.constant 2147483647 : i32
      %and3A_363 = vector.broadcast %and3A_362 : i32 to vector<16xi32>
      %and3A_364 = arith.andi %add3A_341, %and3A_363 : vector<16xi32>
      %add3A_365 = arith.addi %shift_right_logical3A_361, %and3A_364 : vector<16xi32>
      %ge3A_366 = arith.constant 2147483647 : i32
      %ge3A_367 = vector.broadcast %ge3A_366 : i32 to vector<16xi32>
      %ge3A_368 = arith.cmpi uge, %add3A_365, %ge3A_367 : vector<16xi32>
      %sub3A_369 = arith.constant 2147483647 : i32
      %sub3A_370 = vector.broadcast %sub3A_369 : i32 to vector<16xi32>
      %sub3A_371 = arith.subi %add3A_365, %sub3A_370 : vector<16xi32>
      %select_n3A_372 = arith.select %ge3A_368, %sub3A_371, %add3A_365 : vector<16xi1>, vector<16xi32>
      %shift_right_logical3A_373 = arith.constant 31 : i32
      %shift_right_logical3A_374 = vector.broadcast %shift_right_logical3A_373 : i32 to vector<16xi32>
      %shift_right_logical3A_375 = arith.shrui %mul3A_344, %shift_right_logical3A_374 : vector<16xi32>
      %and3A_376 = arith.constant 2147483647 : i32
      %and3A_377 = vector.broadcast %and3A_376 : i32 to vector<16xi32>
      %and3A_378 = arith.andi %mul3A_344, %and3A_377 : vector<16xi32>
      %add3A_379 = arith.addi %shift_right_logical3A_375, %and3A_378 : vector<16xi32>
      %ge3A_380 = arith.constant 2147483647 : i32
      %ge3A_381 = vector.broadcast %ge3A_380 : i32 to vector<16xi32>
      %ge3A_382 = arith.cmpi uge, %add3A_379, %ge3A_381 : vector<16xi32>
      %sub3A_383 = arith.constant 2147483647 : i32
      %sub3A_384 = vector.broadcast %sub3A_383 : i32 to vector<16xi32>
      %sub3A_385 = arith.subi %add3A_379, %sub3A_384 : vector<16xi32>
      %select_n3A_386 = arith.select %ge3A_382, %sub3A_385, %add3A_379 : vector<16xi1>, vector<16xi32>
      %add3A_387 = arith.addi %select_n3A_372, %select_n3A_386 : vector<16xi32>
      %shift_right_logical3A_388 = arith.constant 31 : i32
      %shift_right_logical3A_389 = vector.broadcast %shift_right_logical3A_388 : i32 to vector<16xi32>
      %shift_right_logical3A_390 = arith.shrui %add3A_387, %shift_right_logical3A_389 : vector<16xi32>
      %and3A_391 = arith.constant 2147483647 : i32
      %and3A_392 = vector.broadcast %and3A_391 : i32 to vector<16xi32>
      %and3A_393 = arith.andi %add3A_387, %and3A_392 : vector<16xi32>
      %add3A_394 = arith.addi %shift_right_logical3A_390, %and3A_393 : vector<16xi32>
      %ge3A_395 = arith.constant 2147483647 : i32
      %ge3A_396 = vector.broadcast %ge3A_395 : i32 to vector<16xi32>
      %ge3A_397 = arith.cmpi uge, %add3A_394, %ge3A_396 : vector<16xi32>
      %sub3A_398 = arith.constant 2147483647 : i32
      %sub3A_399 = vector.broadcast %sub3A_398 : i32 to vector<16xi32>
      %sub3A_400 = arith.subi %add3A_394, %sub3A_399 : vector<16xi32>
      %select_n3A_401 = arith.select %ge3A_397, %sub3A_400, %add3A_394 : vector<16xi1>, vector<16xi32>
      %add3A_402 = arith.addi %select_n3A_401, %select_n3A : vector<16xi32>
      %shift_right_logical3A_403 = arith.constant 31 : i32
      %shift_right_logical3A_404 = vector.broadcast %shift_right_logical3A_403 : i32 to vector<16xi32>
      %shift_right_logical3A_405 = arith.shrui %add3A_402, %shift_right_logical3A_404 : vector<16xi32>
      %and3A_406 = arith.constant 2147483647 : i32
      %and3A_407 = vector.broadcast %and3A_406 : i32 to vector<16xi32>
      %and3A_408 = arith.andi %add3A_402, %and3A_407 : vector<16xi32>
      %add3A_409 = arith.addi %shift_right_logical3A_405, %and3A_408 : vector<16xi32>
      %ge3A_410 = arith.constant 2147483647 : i32
      %ge3A_411 = vector.broadcast %ge3A_410 : i32 to vector<16xi32>
      %ge3A_412 = arith.cmpi uge, %add3A_409, %ge3A_411 : vector<16xi32>
      %sub3A_413 = arith.constant 2147483647 : i32
      %sub3A_414 = vector.broadcast %sub3A_413 : i32 to vector<16xi32>
      %sub3A_415 = arith.subi %add3A_409, %sub3A_414 : vector<16xi32>
      %select_n3A_416 = arith.select %ge3A_412, %sub3A_415, %add3A_409 : vector<16xi1>, vector<16xi32>
      %convert_element_type3A = arith.sitofp %select_n3A_416 : vector<16xi32> to vector<16xf32>
      %mul3A_417 = arith.constant 9.99999997E-7 : f32
      %mul3A_418 = vector.broadcast %mul3A_417 : f32 to vector<16xf32>
      %mul3A_419 = arith.mulf %convert_element_type3A, %mul3A_418 : vector<16xf32>
      %convert_element_type3A_420 = arith.fptosi %mul3A_419 : vector<16xf32> to vector<16xi32>
      %mul3A_421 = arith.constant 1000000 : i32
      %mul3A_422 = vector.broadcast %mul3A_421 : i32 to vector<16xi32>
      %mul3A_423 = arith.muli %convert_element_type3A_420, %mul3A_422 : vector<16xi32>
      %sub3A_424 = arith.subi %select_n3A_416, %mul3A_423 : vector<16xi32>
      %lt3A = arith.constant 0 : i32
      %lt3A_425 = vector.broadcast %lt3A : i32 to vector<16xi32>
      %lt3A_426 = arith.cmpi slt, %sub3A_424, %lt3A_425 : vector<16xi32>
      %add3A_427 = arith.constant 1000000 : i32
      %add3A_428 = vector.broadcast %add3A_427 : i32 to vector<16xi32>
      %add3A_429 = arith.addi %sub3A_424, %add3A_428 : vector<16xi32>
      %select_n3A_430 = arith.select %lt3A_426, %add3A_429, %sub3A_424 : vector<16xi1>, vector<16xi32>
      %ge3A_431 = arith.constant 1000000 : i32
      %ge3A_432 = vector.broadcast %ge3A_431 : i32 to vector<16xi32>
      %ge3A_433 = arith.cmpi sge, %select_n3A_430, %ge3A_432 : vector<16xi32>
      %sub3A_434 = arith.constant 1000000 : i32
      %sub3A_435 = vector.broadcast %sub3A_434 : i32 to vector<16xi32>
      %sub3A_436 = arith.subi %select_n3A_430, %sub3A_435 : vector<16xi32>
      %select_n3A_437 = arith.select %ge3A_433, %sub3A_436, %select_n3A_430 : vector<16xi1>, vector<16xi32>
      %swap3A = arith.index_cast %shift_right_arithmetic3A_318 : i32 to index
      %swap3A_438 = arith.index_cast %mul3A_322 : i32 to index
      %swap3A_439 = tpu.vector_load %arg7[%swap3A, %swap3A_438] {strides = array<i32>} : memref<4x128xi32, #tpu.memory_space<vmem>>, vector<16xi32>,
      tpu.vector_store %arg7[%swap3A, %swap3A_438], %select_n3A_437 {strides = array<i32>} : memref<4x128xi32, #tpu.memory_space<vmem>>, vector<16xi32>,
      %mul3A_440 = arith.constant 65228 : i32
      %mul3A_441 = vector.broadcast %mul3A_440 : i32 to vector<16xi32>
      %mul3A_442 = arith.muli %shift_right_logical3A_317, %mul3A_441 : vector<16xi32>
      %mul3A_443 = arith.constant 58068 : i32
      %mul3A_444 = vector.broadcast %mul3A_443 : i32 to vector<16xi32>
      %mul3A_445 = arith.muli %shift_right_logical3A_317, %mul3A_444 : vector<16xi32>
      %mul3A_446 = arith.constant 32614 : i32
      %mul3A_447 = vector.broadcast %mul3A_446 : i32 to vector<16xi32>
      %mul3A_448 = arith.muli %and3A_315, %mul3A_447 : vector<16xi32>
      %add3A_449 = arith.addi %mul3A_445, %mul3A_448 : vector<16xi32>
      %shift_right_logical3A_450 = arith.constant 15 : i32
      %shift_right_logical3A_451 = vector.broadcast %shift_right_logical3A_450 : i32 to vector<16xi32>
      %shift_right_logical3A_452 = arith.shrui %add3A_449, %shift_right_logical3A_451 : vector<16xi32>
      %and3A_453 = arith.constant 32767 : i32
      %and3A_454 = vector.broadcast %and3A_453 : i32 to vector<16xi32>
      %and3A_455 = arith.andi %add3A_449, %and3A_454 : vector<16xi32>
      %shift_left3A_456 = arith.constant 16 : i32
      %shift_left3A_457 = vector.broadcast %shift_left3A_456 : i32 to vector<16xi32>
      %shift_left3A_458 = arith.shli %and3A_455, %shift_left3A_457 : vector<16xi32>
      %add3A_459 = arith.addi %shift_right_logical3A_452, %shift_left3A_458 : vector<16xi32>
      %mul3A_460 = arith.constant 58068 : i32
      %mul3A_461 = vector.broadcast %mul3A_460 : i32 to vector<16xi32>
      %mul3A_462 = arith.muli %and3A_315, %mul3A_461 : vector<16xi32>
      %add3A_463 = arith.constant 1365105717 : i32
      %add3A_464 = vector.broadcast %add3A_463 : i32 to vector<16xi32>
      %add3A_465 = arith.addi %mul3A_442, %add3A_464 : vector<16xi32>
      %shift_right_logical3A_466 = arith.constant 31 : i32
      %shift_right_logical3A_467 = vector.broadcast %shift_right_logical3A_466 : i32 to vector<16xi32>
      %shift_right_logical3A_468 = arith.shrui %add3A_465, %shift_right_logical3A_467 : vector<16xi32>
      %and3A_469 = arith.constant 2147483647 : i32
      %and3A_470 = vector.broadcast %and3A_469 : i32 to vector<16xi32>
      %and3A_471 = arith.andi %add3A_465, %and3A_470 : vector<16xi32>
      %add3A_472 = arith.addi %shift_right_logical3A_468, %and3A_471 : vector<16xi32>
      %ge3A_473 = arith.constant 2147483647 : i32
      %ge3A_474 = vector.broadcast %ge3A_473 : i32 to vector<16xi32>
      %ge3A_475 = arith.cmpi uge, %add3A_472, %ge3A_474 : vector<16xi32>
      %sub3A_476 = arith.constant 2147483647 : i32
      %sub3A_477 = vector.broadcast %sub3A_476 : i32 to vector<16xi32>
      %sub3A_478 = arith.subi %add3A_472, %sub3A_477 : vector<16xi32>
      %select_n3A_479 = arith.select %ge3A_475, %sub3A_478, %add3A_472 : vector<16xi1>, vector<16xi32>
      %shift_right_logical3A_480 = arith.constant 31 : i32
      %shift_right_logical3A_481 = vector.broadcast %shift_right_logical3A_480 : i32 to vector<16xi32>
      %shift_right_logical3A_482 = arith.shrui %add3A_459, %shift_right_logical3A_481 : vector<16xi32>
      %and3A_483 = arith.constant 2147483647 : i32
      %and3A_484 = vector.broadcast %and3A_483 : i32 to vector<16xi32>
      %and3A_485 = arith.andi %add3A_459, %and3A_484 : vector<16xi32>
      %add3A_486 = arith.addi %shift_right_logical3A_482, %and3A_485 : vector<16xi32>
      %ge3A_487 = arith.constant 2147483647 : i32
      %ge3A_488 = vector.broadcast %ge3A_487 : i32 to vector<16xi32>
      %ge3A_489 = arith.cmpi uge, %add3A_486, %ge3A_488 : vector<16xi32>
      %sub3A_490 = arith.constant 2147483647 : i32
      %sub3A_491 = vector.broadcast %sub3A_490 : i32 to vector<16xi32>
      %sub3A_492 = arith.subi %add3A_486, %sub3A_491 : vector<16xi32>
      %select_n3A_493 = arith.select %ge3A_489, %sub3A_492, %add3A_486 : vector<16xi1>, vector<16xi32>
      %shift_right_logical3A_494 = arith.constant 31 : i32
      %shift_right_logical3A_495 = vector.broadcast %shift_right_logical3A_494 : i32 to vector<16xi32>
      %shift_right_logical3A_496 = arith.shrui %mul3A_462, %shift_right_logical3A_495 : vector<16xi32>
      %and3A_497 = arith.constant 2147483647 : i32
      %and3A_498 = vector.broadcast %and3A_497 : i32 to vector<16xi32>
      %and3A_499 = arith.andi %mul3A_462, %and3A_498 : vector<16xi32>
      %add3A_500 = arith.addi %shift_right_logical3A_496, %and3A_499 : vector<16xi32>
      %ge3A_501 = arith.constant 2147483647 : i32
      %ge3A_502 = vector.broadcast %ge3A_501 : i32 to vector<16xi32>
      %ge3A_503 = arith.cmpi uge, %add3A_500, %ge3A_502 : vector<16xi32>
      %sub3A_504 = arith.constant 2147483647 : i32
      %sub3A_505 = vector.broadcast %sub3A_504 : i32 to vector<16xi32>
      %sub3A_506 = arith.subi %add3A_500, %sub3A_505 : vector<16xi32>
      %select_n3A_507 = arith.select %ge3A_503, %sub3A_506, %add3A_500 : vector<16xi1>, vector<16xi32>
      %add3A_508 = arith.addi %select_n3A_493, %select_n3A_507 : vector<16xi32>
      %shift_right_logical3A_509 = arith.constant 31 : i32
      %shift_right_logical3A_510 = vector.broadcast %shift_right_logical3A_509 : i32 to vector<16xi32>
      %shift_right_logical3A_511 = arith.shrui %add3A_508, %shift_right_logical3A_510 : vector<16xi32>
      %and3A_512 = arith.constant 2147483647 : i32
      %and3A_513 = vector.broadcast %and3A_512 : i32 to vector<16xi32>
      %and3A_514 = arith.andi %add3A_508, %and3A_513 : vector<16xi32>
      %add3A_515 = arith.addi %shift_right_logical3A_511, %and3A_514 : vector<16xi32>
      %ge3A_516 = arith.constant 2147483647 : i32
      %ge3A_517 = vector.broadcast %ge3A_516 : i32 to vector<16xi32>
      %ge3A_518 = arith.cmpi uge, %add3A_515, %ge3A_517 : vector<16xi32>
      %sub3A_519 = arith.constant 2147483647 : i32
      %sub3A_520 = vector.broadcast %sub3A_519 : i32 to vector<16xi32>
      %sub3A_521 = arith.subi %add3A_515, %sub3A_520 : vector<16xi32>
      %select_n3A_522 = arith.select %ge3A_518, %sub3A_521, %add3A_515 : vector<16xi1>, vector<16xi32>
      %add3A_523 = arith.addi %select_n3A_522, %select_n3A_479 : vector<16xi32>
      %shift_right_logical3A_524 = arith.constant 31 : i32
      %shift_right_logical3A_525 = vector.broadcast %shift_right_logical3A_524 : i32 to vector<16xi32>
      %shift_right_logical3A_526 = arith.shrui %add3A_523, %shift_right_logical3A_525 : vector<16xi32>
      %and3A_527 = arith.constant 2147483647 : i32
      %and3A_528 = vector.broadcast %and3A_527 : i32 to vector<16xi32>
      %and3A_529 = arith.andi %add3A_523, %and3A_528 : vector<16xi32>
      %add3A_530 = arith.addi %shift_right_logical3A_526, %and3A_529 : vector<16xi32>
      %ge3A_531 = arith.constant 2147483647 : i32
      %ge3A_532 = vector.broadcast %ge3A_531 : i32 to vector<16xi32>
      %ge3A_533 = arith.cmpi uge, %add3A_530, %ge3A_532 : vector<16xi32>
      %sub3A_534 = arith.constant 2147483647 : i32
      %sub3A_535 = vector.broadcast %sub3A_534 : i32 to vector<16xi32>
      %sub3A_536 = arith.subi %add3A_530, %sub3A_535 : vector<16xi32>
      %select_n3A_537 = arith.select %ge3A_533, %sub3A_536, %add3A_530 : vector<16xi1>, vector<16xi32>
      %convert_element_type3A_538 = arith.sitofp %select_n3A_537 : vector<16xi32> to vector<16xf32>
      %mul3A_539 = arith.constant 9.99999997E-7 : f32
      %mul3A_540 = vector.broadcast %mul3A_539 : f32 to vector<16xf32>
      %mul3A_541 = arith.mulf %convert_element_type3A_538, %mul3A_540 : vector<16xf32>
      %convert_element_type3A_542 = arith.fptosi %mul3A_541 : vector<16xf32> to vector<16xi32>
      %mul3A_543 = arith.constant 1000000 : i32
      %mul3A_544 = vector.broadcast %mul3A_543 : i32 to vector<16xi32>
      %mul3A_545 = arith.muli %convert_element_type3A_542, %mul3A_544 : vector<16xi32>
      %sub3A_546 = arith.subi %select_n3A_537, %mul3A_545 : vector<16xi32>
      %lt3A_547 = arith.constant 0 : i32
      %lt3A_548 = vector.broadcast %lt3A_547 : i32 to vector<16xi32>
      %lt3A_549 = arith.cmpi slt, %sub3A_546, %lt3A_548 : vector<16xi32>
      %add3A_550 = arith.constant 1000000 : i32
      %add3A_551 = vector.broadcast %add3A_550 : i32 to vector<16xi32>
      %add3A_552 = arith.addi %sub3A_546, %add3A_551 : vector<16xi32>
      %select_n3A_553 = arith.select %lt3A_549, %add3A_552, %sub3A_546 : vector<16xi1>, vector<16xi32>
      %ge3A_554 = arith.constant 1000000 : i32
      %ge3A_555 = vector.broadcast %ge3A_554 : i32 to vector<16xi32>
      %ge3A_556 = arith.cmpi sge, %select_n3A_553, %ge3A_555 : vector<16xi32>
      %sub3A_557 = arith.constant 1000000 : i32
      %sub3A_558 = vector.broadcast %sub3A_557 : i32 to vector<16xi32>
      %sub3A_559 = arith.subi %select_n3A_553, %sub3A_558 : vector<16xi32>
      %select_n3A_560 = arith.select %ge3A_556, %sub3A_559, %select_n3A_553 : vector<16xi1>, vector<16xi32>
      %swap3A_561 = arith.index_cast %shift_right_arithmetic3A_318 : i32 to index
      %swap3A_562 = arith.index_cast %mul3A_322 : i32 to index
      %swap3A_563 = tpu.vector_load %arg8[%swap3A_561, %swap3A_562] {strides = array<i32>} : memref<4x128xi32, #tpu.memory_space<vmem>>, vector<16xi32>,
      tpu.vector_store %arg8[%swap3A_561, %swap3A_562], %select_n3A_560 {strides = array<i32>} : memref<4x128xi32, #tpu.memory_space<vmem>>, vector<16xi32>,
      %mul3A_564 = arith.constant 57372 : i32
      %mul3A_565 = vector.broadcast %mul3A_564 : i32 to vector<16xi32>
      %mul3A_566 = arith.muli %shift_right_logical3A_317, %mul3A_565 : vector<16xi32>
      %mul3A_567 = arith.constant 60621 : i32
      %mul3A_568 = vector.broadcast %mul3A_567 : i32 to vector<16xi32>
      %mul3A_569 = arith.muli %shift_right_logical3A_317, %mul3A_568 : vector<16xi32>
      %mul3A_570 = arith.constant 28686 : i32
      %mul3A_571 = vector.broadcast %mul3A_570 : i32 to vector<16xi32>
      %mul3A_572 = arith.muli %and3A_315, %mul3A_571 : vector<16xi32>
      %add3A_573 = arith.addi %mul3A_569, %mul3A_572 : vector<16xi32>
      %shift_right_logical3A_574 = arith.constant 15 : i32
      %shift_right_logical3A_575 = vector.broadcast %shift_right_logical3A_574 : i32 to vector<16xi32>
      %shift_right_logical3A_576 = arith.shrui %add3A_573, %shift_right_logical3A_575 : vector<16xi32>
      %and3A_577 = arith.constant 32767 : i32
      %and3A_578 = vector.broadcast %and3A_577 : i32 to vector<16xi32>
      %and3A_579 = arith.andi %add3A_573, %and3A_578 : vector<16xi32>
      %shift_left3A_580 = arith.constant 16 : i32
      %shift_left3A_581 = vector.broadcast %shift_left3A_580 : i32 to vector<16xi32>
      %shift_left3A_582 = arith.shli %and3A_579, %shift_left3A_581 : vector<16xi32>
      %add3A_583 = arith.addi %shift_right_logical3A_576, %shift_left3A_582 : vector<16xi32>
      %mul3A_584 = arith.constant 60621 : i32
      %mul3A_585 = vector.broadcast %mul3A_584 : i32 to vector<16xi32>
      %mul3A_586 = arith.muli %and3A_315, %mul3A_585 : vector<16xi32>
      %add3A_587 = arith.constant 1225605784 : i32
      %add3A_588 = vector.broadcast %add3A_587 : i32 to vector<16xi32>
      %add3A_589 = arith.addi %mul3A_566, %add3A_588 : vector<16xi32>
      %shift_right_logical3A_590 = arith.constant 31 : i32
      %shift_right_logical3A_591 = vector.broadcast %shift_right_logical3A_590 : i32 to vector<16xi32>
      %shift_right_logical3A_592 = arith.shrui %add3A_589, %shift_right_logical3A_591 : vector<16xi32>
      %and3A_593 = arith.constant 2147483647 : i32
      %and3A_594 = vector.broadcast %and3A_593 : i32 to vector<16xi32>
      %and3A_595 = arith.andi %add3A_589, %and3A_594 : vector<16xi32>
      %add3A_596 = arith.addi %shift_right_logical3A_592, %and3A_595 : vector<16xi32>
      %ge3A_597 = arith.constant 2147483647 : i32
      %ge3A_598 = vector.broadcast %ge3A_597 : i32 to vector<16xi32>
      %ge3A_599 = arith.cmpi uge, %add3A_596, %ge3A_598 : vector<16xi32>
      %sub3A_600 = arith.constant 2147483647 : i32
      %sub3A_601 = vector.broadcast %sub3A_600 : i32 to vector<16xi32>
      %sub3A_602 = arith.subi %add3A_596, %sub3A_601 : vector<16xi32>
      %select_n3A_603 = arith.select %ge3A_599, %sub3A_602, %add3A_596 : vector<16xi1>, vector<16xi32>
      %shift_right_logical3A_604 = arith.constant 31 : i32
      %shift_right_logical3A_605 = vector.broadcast %shift_right_logical3A_604 : i32 to vector<16xi32>
      %shift_right_logical3A_606 = arith.shrui %add3A_583, %shift_right_logical3A_605 : vector<16xi32>
      %and3A_607 = arith.constant 2147483647 : i32
      %and3A_608 = vector.broadcast %and3A_607 : i32 to vector<16xi32>
      %and3A_609 = arith.andi %add3A_583, %and3A_608 : vector<16xi32>
      %add3A_610 = arith.addi %shift_right_logical3A_606, %and3A_609 : vector<16xi32>
      %ge3A_611 = arith.constant 2147483647 : i32
      %ge3A_612 = vector.broadcast %ge3A_611 : i32 to vector<16xi32>
      %ge3A_613 = arith.cmpi uge, %add3A_610, %ge3A_612 : vector<16xi32>
      %sub3A_614 = arith.constant 2147483647 : i32
      %sub3A_615 = vector.broadcast %sub3A_614 : i32 to vector<16xi32>
      %sub3A_616 = arith.subi %add3A_610, %sub3A_615 : vector<16xi32>
      %select_n3A_617 = arith.select %ge3A_613, %sub3A_616, %add3A_610 : vector<16xi1>, vector<16xi32>
      %shift_right_logical3A_618 = arith.constant 31 : i32
      %shift_right_logical3A_619 = vector.broadcast %shift_right_logical3A_618 : i32 to vector<16xi32>
      %shift_right_logical3A_620 = arith.shrui %mul3A_586, %shift_right_logical3A_619 : vector<16xi32>
      %and3A_621 = arith.constant 2147483647 : i32
      %and3A_622 = vector.broadcast %and3A_621 : i32 to vector<16xi32>
      %and3A_623 = arith.andi %mul3A_586, %and3A_622 : vector<16xi32>
      %add3A_624 = arith.addi %shift_right_logical3A_620, %and3A_623 : vector<16xi32>
      %ge3A_625 = arith.constant 2147483647 : i32
      %ge3A_626 = vector.broadcast %ge3A_625 : i32 to vector<16xi32>
      %ge3A_627 = arith.cmpi uge, %add3A_624, %ge3A_626 : vector<16xi32>
      %sub3A_628 = arith.constant 2147483647 : i32
      %sub3A_629 = vector.broadcast %sub3A_628 : i32 to vector<16xi32>
      %sub3A_630 = arith.subi %add3A_624, %sub3A_629 : vector<16xi32>
      %select_n3A_631 = arith.select %ge3A_627, %sub3A_630, %add3A_624 : vector<16xi1>, vector<16xi32>
      %add3A_632 = arith.addi %select_n3A_617, %select_n3A_631 : vector<16xi32>
      %shift_right_logical3A_633 = arith.constant 31 : i32
      %shift_right_logical3A_634 = vector.broadcast %shift_right_logical3A_633 : i32 to vector<16xi32>
      %shift_right_logical3A_635 = arith.shrui %add3A_632, %shift_right_logical3A_634 : vector<16xi32>
      %and3A_636 = arith.constant 2147483647 : i32
      %and3A_637 = vector.broadcast %and3A_636 : i32 to vector<16xi32>
      %and3A_638 = arith.andi %add3A_632, %and3A_637 : vector<16xi32>
      %add3A_639 = arith.addi %shift_right_logical3A_635, %and3A_638 : vector<16xi32>
      %ge3A_640 = arith.constant 2147483647 : i32
      %ge3A_641 = vector.broadcast %ge3A_640 : i32 to vector<16xi32>
      %ge3A_642 = arith.cmpi uge, %add3A_639, %ge3A_641 : vector<16xi32>
      %sub3A_643 = arith.constant 2147483647 : i32
      %sub3A_644 = vector.broadcast %sub3A_643 : i32 to vector<16xi32>
      %sub3A_645 = arith.subi %add3A_639, %sub3A_644 : vector<16xi32>
      %select_n3A_646 = arith.select %ge3A_642, %sub3A_645, %add3A_639 : vector<16xi1>, vector<16xi32>
      %add3A_647 = arith.addi %select_n3A_646, %select_n3A_603 : vector<16xi32>
      %shift_right_logical3A_648 = arith.constant 31 : i32
      %shift_right_logical3A_649 = vector.broadcast %shift_right_logical3A_648 : i32 to vector<16xi32>
      %shift_right_logical3A_650 = arith.shrui %add3A_647, %shift_right_logical3A_649 : vector<16xi32>
      %and3A_651 = arith.constant 2147483647 : i32
      %and3A_652 = vector.broadcast %and3A_651 : i32 to vector<16xi32>
      %and3A_653 = arith.andi %add3A_647, %and3A_652 : vector<16xi32>
      %add3A_654 = arith.addi %shift_right_logical3A_650, %and3A_653 : vector<16xi32>
      %ge3A_655 = arith.constant 2147483647 : i32
      %ge3A_656 = vector.broadcast %ge3A_655 : i32 to vector<16xi32>
      %ge3A_657 = arith.cmpi uge, %add3A_654, %ge3A_656 : vector<16xi32>
      %sub3A_658 = arith.constant 2147483647 : i32
      %sub3A_659 = vector.broadcast %sub3A_658 : i32 to vector<16xi32>
      %sub3A_660 = arith.subi %add3A_654, %sub3A_659 : vector<16xi32>
      %select_n3A_661 = arith.select %ge3A_657, %sub3A_660, %add3A_654 : vector<16xi1>, vector<16xi32>
      %convert_element_type3A_662 = arith.sitofp %select_n3A_661 : vector<16xi32> to vector<16xf32>
      %mul3A_663 = arith.constant 8.000000e-06 : f32
      %mul3A_664 = vector.broadcast %mul3A_663 : f32 to vector<16xf32>
      %mul3A_665 = arith.mulf %convert_element_type3A_662, %mul3A_664 : vector<16xf32>
      %convert_element_type3A_666 = arith.fptosi %mul3A_665 : vector<16xf32> to vector<16xi32>
      %mul3A_667 = arith.constant 125000 : i32
      %mul3A_668 = vector.broadcast %mul3A_667 : i32 to vector<16xi32>
      %mul3A_669 = arith.muli %convert_element_type3A_666, %mul3A_668 : vector<16xi32>
      %sub3A_670 = arith.subi %select_n3A_661, %mul3A_669 : vector<16xi32>
      %lt3A_671 = arith.constant 0 : i32
      %lt3A_672 = vector.broadcast %lt3A_671 : i32 to vector<16xi32>
      %lt3A_673 = arith.cmpi slt, %sub3A_670, %lt3A_672 : vector<16xi32>
      %add3A_674 = arith.constant 125000 : i32
      %add3A_675 = vector.broadcast %add3A_674 : i32 to vector<16xi32>
      %add3A_676 = arith.addi %sub3A_670, %add3A_675 : vector<16xi32>
      %select_n3A_677 = arith.select %lt3A_673, %add3A_676, %sub3A_670 : vector<16xi1>, vector<16xi32>
      %ge3A_678 = arith.constant 125000 : i32
      %ge3A_679 = vector.broadcast %ge3A_678 : i32 to vector<16xi32>
      %ge3A_680 = arith.cmpi sge, %select_n3A_677, %ge3A_679 : vector<16xi32>
      %sub3A_681 = arith.constant 125000 : i32
      %sub3A_682 = vector.broadcast %sub3A_681 : i32 to vector<16xi32>
      %sub3A_683 = arith.subi %select_n3A_677, %sub3A_682 : vector<16xi32>
      %select_n3A_684 = arith.select %ge3A_680, %sub3A_683, %select_n3A_677 : vector<16xi1>, vector<16xi32>
      %swap3A_685 = arith.index_cast %shift_right_arithmetic3A_318 : i32 to index
      %swap3A_686 = arith.index_cast %mul3A_322 : i32 to index
      %swap3A_687 = tpu.vector_load %arg9[%swap3A_685, %swap3A_686] {strides = array<i32>} : memref<4x128xi32, #tpu.memory_space<vmem>>, vector<16xi32>,
      tpu.vector_store %arg9[%swap3A_685, %swap3A_686], %select_n3A_684 {strides = array<i32>} : memref<4x128xi32, #tpu.memory_space<vmem>>, vector<16xi32>,
      %mul3A_688 = arith.constant 14694 : i32
      %mul3A_689 = vector.broadcast %mul3A_688 : i32 to vector<16xi32>
      %mul3A_690 = arith.muli %shift_right_logical3A_317, %mul3A_689 : vector<16xi32>
      %mul3A_691 = arith.constant 23925 : i32
      %mul3A_692 = vector.broadcast %mul3A_691 : i32 to vector<16xi32>
      %mul3A_693 = arith.muli %shift_right_logical3A_317, %mul3A_692 : vector<16xi32>
      %mul3A_694 = arith.constant 7347 : i32
      %mul3A_695 = vector.broadcast %mul3A_694 : i32 to vector<16xi32>
      %mul3A_696 = arith.muli %and3A_315, %mul3A_695 : vector<16xi32>
      %add3A_697 = arith.addi %mul3A_693, %mul3A_696 : vector<16xi32>
      %shift_right_logical3A_698 = arith.constant 15 : i32
      %shift_right_logical3A_699 = vector.broadcast %shift_right_logical3A_698 : i32 to vector<16xi32>
      %shift_right_logical3A_700 = arith.shrui %add3A_697, %shift_right_logical3A_699 : vector<16xi32>
      %and3A_701 = arith.constant 32767 : i32
      %and3A_702 = vector.broadcast %and3A_701 : i32 to vector<16xi32>
      %and3A_703 = arith.andi %add3A_697, %and3A_702 : vector<16xi32>
      %shift_left3A_704 = arith.constant 16 : i32
      %shift_left3A_705 = vector.broadcast %shift_left3A_704 : i32 to vector<16xi32>
      %shift_left3A_706 = arith.shli %and3A_703, %shift_left3A_705 : vector<16xi32>
      %add3A_707 = arith.addi %shift_right_logical3A_700, %shift_left3A_706 : vector<16xi32>
      %mul3A_708 = arith.constant 23925 : i32
      %mul3A_709 = vector.broadcast %mul3A_708 : i32 to vector<16xi32>
      %mul3A_710 = arith.muli %and3A_315, %mul3A_709 : vector<16xi32>
      %add3A_711 = arith.constant 1165481977 : i32
      %add3A_712 = vector.broadcast %add3A_711 : i32 to vector<16xi32>
      %add3A_713 = arith.addi %mul3A_690, %add3A_712 : vector<16xi32>
      %shift_right_logical3A_714 = arith.constant 31 : i32
      %shift_right_logical3A_715 = vector.broadcast %shift_right_logical3A_714 : i32 to vector<16xi32>
      %shift_right_logical3A_716 = arith.shrui %add3A_713, %shift_right_logical3A_715 : vector<16xi32>
      %and3A_717 = arith.constant 2147483647 : i32
      %and3A_718 = vector.broadcast %and3A_717 : i32 to vector<16xi32>
      %and3A_719 = arith.andi %add3A_713, %and3A_718 : vector<16xi32>
      %add3A_720 = arith.addi %shift_right_logical3A_716, %and3A_719 : vector<16xi32>
      %ge3A_721 = arith.constant 2147483647 : i32
      %ge3A_722 = vector.broadcast %ge3A_721 : i32 to vector<16xi32>
      %ge3A_723 = arith.cmpi uge, %add3A_720, %ge3A_722 : vector<16xi32>
      %sub3A_724 = arith.constant 2147483647 : i32
      %sub3A_725 = vector.broadcast %sub3A_724 : i32 to vector<16xi32>
      %sub3A_726 = arith.subi %add3A_720, %sub3A_725 : vector<16xi32>
      %select_n3A_727 = arith.select %ge3A_723, %sub3A_726, %add3A_720 : vector<16xi1>, vector<16xi32>
      %shift_right_logical3A_728 = arith.constant 31 : i32
      %shift_right_logical3A_729 = vector.broadcast %shift_right_logical3A_728 : i32 to vector<16xi32>
      %shift_right_logical3A_730 = arith.shrui %add3A_707, %shift_right_logical3A_729 : vector<16xi32>
      %and3A_731 = arith.constant 2147483647 : i32
      %and3A_732 = vector.broadcast %and3A_731 : i32 to vector<16xi32>
      %and3A_733 = arith.andi %add3A_707, %and3A_732 : vector<16xi32>
      %add3A_734 = arith.addi %shift_right_logical3A_730, %and3A_733 : vector<16xi32>
      %ge3A_735 = arith.constant 2147483647 : i32
      %ge3A_736 = vector.broadcast %ge3A_735 : i32 to vector<16xi32>
      %ge3A_737 = arith.cmpi uge, %add3A_734, %ge3A_736 : vector<16xi32>
      %sub3A_738 = arith.constant 2147483647 : i32
      %sub3A_739 = vector.broadcast %sub3A_738 : i32 to vector<16xi32>
      %sub3A_740 = arith.subi %add3A_734, %sub3A_739 : vector<16xi32>
      %select_n3A_741 = arith.select %ge3A_737, %sub3A_740, %add3A_734 : vector<16xi1>, vector<16xi32>
      %shift_right_logical3A_742 = arith.constant 31 : i32
      %shift_right_logical3A_743 = vector.broadcast %shift_right_logical3A_742 : i32 to vector<16xi32>
      %shift_right_logical3A_744 = arith.shrui %mul3A_710, %shift_right_logical3A_743 : vector<16xi32>
      %and3A_745 = arith.constant 2147483647 : i32
      %and3A_746 = vector.broadcast %and3A_745 : i32 to vector<16xi32>
      %and3A_747 = arith.andi %mul3A_710, %and3A_746 : vector<16xi32>
      %add3A_748 = arith.addi %shift_right_logical3A_744, %and3A_747 : vector<16xi32>
      %ge3A_749 = arith.constant 2147483647 : i32
      %ge3A_750 = vector.broadcast %ge3A_749 : i32 to vector<16xi32>
      %ge3A_751 = arith.cmpi uge, %add3A_748, %ge3A_750 : vector<16xi32>
      %sub3A_752 = arith.constant 2147483647 : i32
      %sub3A_753 = vector.broadcast %sub3A_752 : i32 to vector<16xi32>
      %sub3A_754 = arith.subi %add3A_748, %sub3A_753 : vector<16xi32>
      %select_n3A_755 = arith.select %ge3A_751, %sub3A_754, %add3A_748 : vector<16xi1>, vector<16xi32>
      %add3A_756 = arith.addi %select_n3A_741, %select_n3A_755 : vector<16xi32>
      %shift_right_logical3A_757 = arith.constant 31 : i32
      %shift_right_logical3A_758 = vector.broadcast %shift_right_logical3A_757 : i32 to vector<16xi32>
      %shift_right_logical3A_759 = arith.shrui %add3A_756, %shift_right_logical3A_758 : vector<16xi32>
      %and3A_760 = arith.constant 2147483647 : i32
      %and3A_761 = vector.broadcast %and3A_760 : i32 to vector<16xi32>
      %and3A_762 = arith.andi %add3A_756, %and3A_761 : vector<16xi32>
      %add3A_763 = arith.addi %shift_right_logical3A_759, %and3A_762 : vector<16xi32>
      %ge3A_764 = arith.constant 2147483647 : i32
      %ge3A_765 = vector.broadcast %ge3A_764 : i32 to vector<16xi32>
      %ge3A_766 = arith.cmpi uge, %add3A_763, %ge3A_765 : vector<16xi32>
      %sub3A_767 = arith.constant 2147483647 : i32
      %sub3A_768 = vector.broadcast %sub3A_767 : i32 to vector<16xi32>
      %sub3A_769 = arith.subi %add3A_763, %sub3A_768 : vector<16xi32>
      %select_n3A_770 = arith.select %ge3A_766, %sub3A_769, %add3A_763 : vector<16xi1>, vector<16xi32>
      %add3A_771 = arith.addi %select_n3A_770, %select_n3A_727 : vector<16xi32>
      %shift_right_logical3A_772 = arith.constant 31 : i32
      %shift_right_logical3A_773 = vector.broadcast %shift_right_logical3A_772 : i32 to vector<16xi32>
      %shift_right_logical3A_774 = arith.shrui %add3A_771, %shift_right_logical3A_773 : vector<16xi32>
      %and3A_775 = arith.constant 2147483647 : i32
      %and3A_776 = vector.broadcast %and3A_775 : i32 to vector<16xi32>
      %and3A_777 = arith.andi %add3A_771, %and3A_776 : vector<16xi32>
      %add3A_778 = arith.addi %shift_right_logical3A_774, %and3A_777 : vector<16xi32>
      %ge3A_779 = arith.constant 2147483647 : i32
      %ge3A_780 = vector.broadcast %ge3A_779 : i32 to vector<16xi32>
      %ge3A_781 = arith.cmpi uge, %add3A_778, %ge3A_780 : vector<16xi32>
      %sub3A_782 = arith.constant 2147483647 : i32
      %sub3A_783 = vector.broadcast %sub3A_782 : i32 to vector<16xi32>
      %sub3A_784 = arith.subi %add3A_778, %sub3A_783 : vector<16xi32>
      %select_n3A_785 = arith.select %ge3A_781, %sub3A_784, %add3A_778 : vector<16xi1>, vector<16xi32>
      %convert_element_type3A_786 = arith.sitofp %select_n3A_785 : vector<16xi32> to vector<16xf32>
      %mul3A_787 = arith.constant 8.000000e-06 : f32
      %mul3A_788 = vector.broadcast %mul3A_787 : f32 to vector<16xf32>
      %mul3A_789 = arith.mulf %convert_element_type3A_786, %mul3A_788 : vector<16xf32>
      %convert_element_type3A_790 = arith.fptosi %mul3A_789 : vector<16xf32> to vector<16xi32>
      %mul3A_791 = arith.constant 125000 : i32
      %mul3A_792 = vector.broadcast %mul3A_791 : i32 to vector<16xi32>
      %mul3A_793 = arith.muli %convert_element_type3A_790, %mul3A_792 : vector<16xi32>
      %sub3A_794 = arith.subi %select_n3A_785, %mul3A_793 : vector<16xi32>
      %lt3A_795 = arith.constant 0 : i32
      %lt3A_796 = vector.broadcast %lt3A_795 : i32 to vector<16xi32>
      %lt3A_797 = arith.cmpi slt, %sub3A_794, %lt3A_796 : vector<16xi32>
      %add3A_798 = arith.constant 125000 : i32
      %add3A_799 = vector.broadcast %add3A_798 : i32 to vector<16xi32>
      %add3A_800 = arith.addi %sub3A_794, %add3A_799 : vector<16xi32>
      %select_n3A_801 = arith.select %lt3A_797, %add3A_800, %sub3A_794 : vector<16xi1>, vector<16xi32>
      %ge3A_802 = arith.constant 125000 : i32
      %ge3A_803 = vector.broadcast %ge3A_802 : i32 to vector<16xi32>
      %ge3A_804 = arith.cmpi sge, %select_n3A_801, %ge3A_803 : vector<16xi32>
      %sub3A_805 = arith.constant 125000 : i32
      %sub3A_806 = vector.broadcast %sub3A_805 : i32 to vector<16xi32>
      %sub3A_807 = arith.subi %select_n3A_801, %sub3A_806 : vector<16xi32>
      %select_n3A_808 = arith.select %ge3A_804, %sub3A_807, %select_n3A_801 : vector<16xi1>, vector<16xi32>
      %swap3A_809 = arith.index_cast %shift_right_arithmetic3A_318 : i32 to index
      %swap3A_810 = arith.index_cast %mul3A_322 : i32 to index
      %swap3A_811 = tpu.vector_load %arg10[%swap3A_809, %swap3A_810] {strides = array<i32>} : memref<4x128xi32, #tpu.memory_space<vmem>>, vector<16xi32>,
      tpu.vector_store %arg10[%swap3A_809, %swap3A_810], %select_n3A_808 {strides = array<i32>} : memref<4x128xi32, #tpu.memory_space<vmem>>, vector<16xi32>,
    }
    %dma_start3A = arith.constant 0 : i32
    %dma_start3A_13 = arith.constant 0 : i32
    %dma_start3A_14 = arith.constant 0 : i32
    %dma_start3A_15 = tpu.memref_slice %arg11[%dma_start3A_13, %dma_start3A_14] : memref<512x32xf32, #tpu.memory_space<vmem>> -> memref<128x32xf32, #tpu.memory_space<vmem>>
    %dma_start3A_16 = arith.constant 0 : i32
    %dma_start3A_17 = tpu.memref_slice %arg7[%dma_start3A, %dma_start3A_16] : memref<4x128xi32, #tpu.memory_space<vmem>> -> memref<1x128xi32, #tpu.memory_space<vmem>>
    %dma_start3A_18 = tpu.memref_squeeze %dma_start3A_17 : memref<1x128xi32, #tpu.memory_space<vmem>> -> memref<128xi32, #tpu.memory_space<vmem>>
    %dma_start3A_19 = arith.constant 0 : i32
    %dma_start3A_20 = arith.constant 0 : i32
    %dma_start3A_21 = tpu.memref_slice %arg3[%dma_start3A_19, %dma_start3A_20] : memref<1000000x32xf32, #tpu.memory_space<hbm>> -> memref<1000000x32xf32, #tpu.memory_space<hbm>>
    tpu.enqueue_indirect_dma source(%dma_start3A_21 : memref<1000000x32xf32, #tpu.memory_space<hbm>>) target(%dma_start3A_15 : memref<128x32xf32, #tpu.memory_space<vmem>>) offsets(%dma_start3A_18 : memref<128xi32, #tpu.memory_space<vmem>>) semaphore(%arg16 : memref<!tpu.dma_semaphore, #tpu.memory_space<semaphore_mem>>)
    %dma_start3A_22 = arith.constant 0 : i32
    %dma_start3A_23 = arith.constant 0 : i32
    %dma_start3A_24 = arith.constant 0 : i32
    %dma_start3A_25 = tpu.memref_slice %arg12[%dma_start3A_23, %dma_start3A_24] : memref<512x32xf32, #tpu.memory_space<vmem>> -> memref<128x32xf32, #tpu.memory_space<vmem>>
    %dma_start3A_26 = arith.constant 0 : i32
    %dma_start3A_27 = tpu.memref_slice %arg8[%dma_start3A_22, %dma_start3A_26] : memref<4x128xi32, #tpu.memory_space<vmem>> -> memref<1x128xi32, #tpu.memory_space<vmem>>
    %dma_start3A_28 = tpu.memref_squeeze %dma_start3A_27 : memref<1x128xi32, #tpu.memory_space<vmem>> -> memref<128xi32, #tpu.memory_space<vmem>>
    %dma_start3A_29 = arith.constant 0 : i32
    %dma_start3A_30 = arith.constant 0 : i32
    %dma_start3A_31 = tpu.memref_slice %arg3[%dma_start3A_29, %dma_start3A_30] : memref<1000000x32xf32, #tpu.memory_space<hbm>> -> memref<1000000x32xf32, #tpu.memory_space<hbm>>
    tpu.enqueue_indirect_dma source(%dma_start3A_31 : memref<1000000x32xf32, #tpu.memory_space<hbm>>) target(%dma_start3A_25 : memref<128x32xf32, #tpu.memory_space<vmem>>) offsets(%dma_start3A_28 : memref<128xi32, #tpu.memory_space<vmem>>) semaphore(%arg17 : memref<!tpu.dma_semaphore, #tpu.memory_space<semaphore_mem>>)
    %dma_start3A_32 = arith.constant 0 : i32
    %dma_start3A_33 = arith.constant 0 : i32
    %dma_start3A_34 = tpu.memref_slice %arg13[%dma_start3A_33] : memref<512xf32, #tpu.memory_space<vmem>> -> memref<128xf32, #tpu.memory_space<vmem>>
    %dma_start3A_35 = arith.constant 0 : i32
    %dma_start3A_36 = tpu.memref_slice %arg9[%dma_start3A_32, %dma_start3A_35] : memref<4x128xi32, #tpu.memory_space<vmem>> -> memref<1x128xi32, #tpu.memory_space<vmem>>
    %dma_start3A_37 = tpu.memref_squeeze %dma_start3A_36 : memref<1x128xi32, #tpu.memory_space<vmem>> -> memref<128xi32, #tpu.memory_space<vmem>>
    %dma_start3A_38 = arith.constant 0 : i32
    %dma_start3A_39 = tpu.memref_slice %arg4[%dma_start3A_38] : memref<125000xf32, #tpu.memory_space<hbm>> -> memref<125000xf32, #tpu.memory_space<hbm>>
    tpu.enqueue_indirect_dma source(%dma_start3A_39 : memref<125000xf32, #tpu.memory_space<hbm>>) target(%dma_start3A_34 : memref<128xf32, #tpu.memory_space<vmem>>) offsets(%dma_start3A_37 : memref<128xi32, #tpu.memory_space<vmem>>) semaphore(%arg18 : memref<!tpu.dma_semaphore, #tpu.memory_space<semaphore_mem>>)
    %dma_start3A_40 = arith.constant 0 : i32
    %dma_start3A_41 = arith.constant 0 : i32
    %dma_start3A_42 = tpu.memref_slice %arg14[%dma_start3A_41] : memref<512xf32, #tpu.memory_space<vmem>> -> memref<128xf32, #tpu.memory_space<vmem>>
    %dma_start3A_43 = arith.constant 0 : i32
    %dma_start3A_44 = tpu.memref_slice %arg10[%dma_start3A_40, %dma_start3A_43] : memref<4x128xi32, #tpu.memory_space<vmem>> -> memref<1x128xi32, #tpu.memory_space<vmem>>
    %dma_start3A_45 = tpu.memref_squeeze %dma_start3A_44 : memref<1x128xi32, #tpu.memory_space<vmem>> -> memref<128xi32, #tpu.memory_space<vmem>>
    %dma_start3A_46 = arith.constant 0 : i32
    %dma_start3A_47 = tpu.memref_slice %arg4[%dma_start3A_46] : memref<125000xf32, #tpu.memory_space<hbm>> -> memref<125000xf32, #tpu.memory_space<hbm>>
    tpu.enqueue_indirect_dma source(%dma_start3A_47 : memref<125000xf32, #tpu.memory_space<hbm>>) target(%dma_start3A_42 : memref<128xf32, #tpu.memory_space<vmem>>) offsets(%dma_start3A_45 : memref<128xi32, #tpu.memory_space<vmem>>) semaphore(%arg19 : memref<!tpu.dma_semaphore, #tpu.memory_space<semaphore_mem>>)
    %dma_start3A_48 = arith.constant 1 : i32
    %dma_start3A_49 = arith.constant 128 : i32
    %dma_start3A_50 = arith.constant 0 : i32
    %dma_start3A_51 = tpu.memref_slice %arg11[%dma_start3A_49, %dma_start3A_50] : memref<512x32xf32, #tpu.memory_space<vmem>> -> memref<128x32xf32, #tpu.memory_space<vmem>>
    %dma_start3A_52 = arith.constant 0 : i32
    %dma_start3A_53 = tpu.memref_slice %arg7[%dma_start3A_48, %dma_start3A_52] : memref<4x128xi32, #tpu.memory_space<vmem>> -> memref<1x128xi32, #tpu.memory_space<vmem>>
    %dma_start3A_54 = tpu.memref_squeeze %dma_start3A_53 : memref<1x128xi32, #tpu.memory_space<vmem>> -> memref<128xi32, #tpu.memory_space<vmem>>
    %dma_start3A_55 = arith.constant 0 : i32
    %dma_start3A_56 = arith.constant 0 : i32
    %dma_start3A_57 = tpu.memref_slice %arg3[%dma_start3A_55, %dma_start3A_56] : memref<1000000x32xf32, #tpu.memory_space<hbm>> -> memref<1000000x32xf32, #tpu.memory_space<hbm>>
    tpu.enqueue_indirect_dma source(%dma_start3A_57 : memref<1000000x32xf32, #tpu.memory_space<hbm>>) target(%dma_start3A_51 : memref<128x32xf32, #tpu.memory_space<vmem>>) offsets(%dma_start3A_54 : memref<128xi32, #tpu.memory_space<vmem>>) semaphore(%arg16 : memref<!tpu.dma_semaphore, #tpu.memory_space<semaphore_mem>>)
    %dma_start3A_58 = arith.constant 1 : i32
    %dma_start3A_59 = arith.constant 128 : i32
    %dma_start3A_60 = arith.constant 0 : i32
    %dma_start3A_61 = tpu.memref_slice %arg12[%dma_start3A_59, %dma_start3A_60] : memref<512x32xf32, #tpu.memory_space<vmem>> -> memref<128x32xf32, #tpu.memory_space<vmem>>
    %dma_start3A_62 = arith.constant 0 : i32
    %dma_start3A_63 = tpu.memref_slice %arg8[%dma_start3A_58, %dma_start3A_62] : memref<4x128xi32, #tpu.memory_space<vmem>> -> memref<1x128xi32, #tpu.memory_space<vmem>>
    %dma_start3A_64 = tpu.memref_squeeze %dma_start3A_63 : memref<1x128xi32, #tpu.memory_space<vmem>> -> memref<128xi32, #tpu.memory_space<vmem>>
    %dma_start3A_65 = arith.constant 0 : i32
    %dma_start3A_66 = arith.constant 0 : i32
    %dma_start3A_67 = tpu.memref_slice %arg3[%dma_start3A_65, %dma_start3A_66] : memref<1000000x32xf32, #tpu.memory_space<hbm>> -> memref<1000000x32xf32, #tpu.memory_space<hbm>>
    tpu.enqueue_indirect_dma source(%dma_start3A_67 : memref<1000000x32xf32, #tpu.memory_space<hbm>>) target(%dma_start3A_61 : memref<128x32xf32, #tpu.memory_space<vmem>>) offsets(%dma_start3A_64 : memref<128xi32, #tpu.memory_space<vmem>>) semaphore(%arg17 : memref<!tpu.dma_semaphore, #tpu.memory_space<semaphore_mem>>)
    %dma_start3A_68 = arith.constant 1 : i32
    %dma_start3A_69 = arith.constant 128 : i32
    %dma_start3A_70 = tpu.memref_slice %arg13[%dma_start3A_69] : memref<512xf32, #tpu.memory_space<vmem>> -> memref<128xf32, #tpu.memory_space<vmem>>
    %dma_start3A_71 = arith.constant 0 : i32
    %dma_start3A_72 = tpu.memref_slice %arg9[%dma_start3A_68, %dma_start3A_71] : memref<4x128xi32, #tpu.memory_space<vmem>> -> memref<1x128xi32, #tpu.memory_space<vmem>>
    %dma_start3A_73 = tpu.memref_squeeze %dma_start3A_72 : memref<1x128xi32, #tpu.memory_space<vmem>> -> memref<128xi32, #tpu.memory_space<vmem>>
    %dma_start3A_74 = arith.constant 0 : i32
    %dma_start3A_75 = tpu.memref_slice %arg4[%dma_start3A_74] : memref<125000xf32, #tpu.memory_space<hbm>> -> memref<125000xf32, #tpu.memory_space<hbm>>
    tpu.enqueue_indirect_dma source(%dma_start3A_75 : memref<125000xf32, #tpu.memory_space<hbm>>) target(%dma_start3A_70 : memref<128xf32, #tpu.memory_space<vmem>>) offsets(%dma_start3A_73 : memref<128xi32, #tpu.memory_space<vmem>>) semaphore(%arg18 : memref<!tpu.dma_semaphore, #tpu.memory_space<semaphore_mem>>)
    %dma_start3A_76 = arith.constant 1 : i32
    %dma_start3A_77 = arith.constant 128 : i32
    %dma_start3A_78 = tpu.memref_slice %arg14[%dma_start3A_77] : memref<512xf32, #tpu.memory_space<vmem>> -> memref<128xf32, #tpu.memory_space<vmem>>
    %dma_start3A_79 = arith.constant 0 : i32
    %dma_start3A_80 = tpu.memref_slice %arg10[%dma_start3A_76, %dma_start3A_79] : memref<4x128xi32, #tpu.memory_space<vmem>> -> memref<1x128xi32, #tpu.memory_space<vmem>>
    %dma_start3A_81 = tpu.memref_squeeze %dma_start3A_80 : memref<1x128xi32, #tpu.memory_space<vmem>> -> memref<128xi32, #tpu.memory_space<vmem>>
    %dma_start3A_82 = arith.constant 0 : i32
    %dma_start3A_83 = tpu.memref_slice %arg4[%dma_start3A_82] : memref<125000xf32, #tpu.memory_space<hbm>> -> memref<125000xf32, #tpu.memory_space<hbm>>
    tpu.enqueue_indirect_dma source(%dma_start3A_83 : memref<125000xf32, #tpu.memory_space<hbm>>) target(%dma_start3A_78 : memref<128xf32, #tpu.memory_space<vmem>>) offsets(%dma_start3A_81 : memref<128xi32, #tpu.memory_space<vmem>>) semaphore(%arg19 : memref<!tpu.dma_semaphore, #tpu.memory_space<semaphore_mem>>)
    %dma_start3A_84 = arith.constant 2 : i32
    %dma_start3A_85 = arith.constant 256 : i32
    %dma_start3A_86 = arith.constant 0 : i32
    %dma_start3A_87 = tpu.memref_slice %arg11[%dma_start3A_85, %dma_start3A_86] : memref<512x32xf32, #tpu.memory_space<vmem>> -> memref<128x32xf32, #tpu.memory_space<vmem>>
    %dma_start3A_88 = arith.constant 0 : i32
    %dma_start3A_89 = tpu.memref_slice %arg7[%dma_start3A_84, %dma_start3A_88] : memref<4x128xi32, #tpu.memory_space<vmem>> -> memref<1x128xi32, #tpu.memory_space<vmem>>
    %dma_start3A_90 = tpu.memref_squeeze %dma_start3A_89 : memref<1x128xi32, #tpu.memory_space<vmem>> -> memref<128xi32, #tpu.memory_space<vmem>>
    %dma_start3A_91 = arith.constant 0 : i32
    %dma_start3A_92 = arith.constant 0 : i32
    %dma_start3A_93 = tpu.memref_slice %arg3[%dma_start3A_91, %dma_start3A_92] : memref<1000000x32xf32, #tpu.memory_space<hbm>> -> memref<1000000x32xf32, #tpu.memory_space<hbm>>
    tpu.enqueue_indirect_dma source(%dma_start3A_93 : memref<1000000x32xf32, #tpu.memory_space<hbm>>) target(%dma_start3A_87 : memref<128x32xf32, #tpu.memory_space<vmem>>) offsets(%dma_start3A_90 : memref<128xi32, #tpu.memory_space<vmem>>) semaphore(%arg16 : memref<!tpu.dma_semaphore, #tpu.memory_space<semaphore_mem>>)
    %dma_start3A_94 = arith.constant 2 : i32
    %dma_start3A_95 = arith.constant 256 : i32
    %dma_start3A_96 = arith.constant 0 : i32
    %dma_start3A_97 = tpu.memref_slice %arg12[%dma_start3A_95, %dma_start3A_96] : memref<512x32xf32, #tpu.memory_space<vmem>> -> memref<128x32xf32, #tpu.memory_space<vmem>>
    %dma_start3A_98 = arith.constant 0 : i32
    %dma_start3A_99 = tpu.memref_slice %arg8[%dma_start3A_94, %dma_start3A_98] : memref<4x128xi32, #tpu.memory_space<vmem>> -> memref<1x128xi32, #tpu.memory_space<vmem>>
    %dma_start3A_100 = tpu.memref_squeeze %dma_start3A_99 : memref<1x128xi32, #tpu.memory_space<vmem>> -> memref<128xi32, #tpu.memory_space<vmem>>
    %dma_start3A_101 = arith.constant 0 : i32
    %dma_start3A_102 = arith.constant 0 : i32
    %dma_start3A_103 = tpu.memref_slice %arg3[%dma_start3A_101, %dma_start3A_102] : memref<1000000x32xf32, #tpu.memory_space<hbm>> -> memref<1000000x32xf32, #tpu.memory_space<hbm>>
    tpu.enqueue_indirect_dma source(%dma_start3A_103 : memref<1000000x32xf32, #tpu.memory_space<hbm>>) target(%dma_start3A_97 : memref<128x32xf32, #tpu.memory_space<vmem>>) offsets(%dma_start3A_100 : memref<128xi32, #tpu.memory_space<vmem>>) semaphore(%arg17 : memref<!tpu.dma_semaphore, #tpu.memory_space<semaphore_mem>>)
    %dma_start3A_104 = arith.constant 2 : i32
    %dma_start3A_105 = arith.constant 256 : i32
    %dma_start3A_106 = tpu.memref_slice %arg13[%dma_start3A_105] : memref<512xf32, #tpu.memory_space<vmem>> -> memref<128xf32, #tpu.memory_space<vmem>>
    %dma_start3A_107 = arith.constant 0 : i32
    %dma_start3A_108 = tpu.memref_slice %arg9[%dma_start3A_104, %dma_start3A_107] : memref<4x128xi32, #tpu.memory_space<vmem>> -> memref<1x128xi32, #tpu.memory_space<vmem>>
    %dma_start3A_109 = tpu.memref_squeeze %dma_start3A_108 : memref<1x128xi32, #tpu.memory_space<vmem>> -> memref<128xi32, #tpu.memory_space<vmem>>
    %dma_start3A_110 = arith.constant 0 : i32
    %dma_start3A_111 = tpu.memref_slice %arg4[%dma_start3A_110] : memref<125000xf32, #tpu.memory_space<hbm>> -> memref<125000xf32, #tpu.memory_space<hbm>>
    tpu.enqueue_indirect_dma source(%dma_start3A_111 : memref<125000xf32, #tpu.memory_space<hbm>>) target(%dma_start3A_106 : memref<128xf32, #tpu.memory_space<vmem>>) offsets(%dma_start3A_109 : memref<128xi32, #tpu.memory_space<vmem>>) semaphore(%arg18 : memref<!tpu.dma_semaphore, #tpu.memory_space<semaphore_mem>>)
    %dma_start3A_112 = arith.constant 2 : i32
    %dma_start3A_113 = arith.constant 256 : i32
    %dma_start3A_114 = tpu.memref_slice %arg14[%dma_start3A_113] : memref<512xf32, #tpu.memory_space<vmem>> -> memref<128xf32, #tpu.memory_space<vmem>>
    %dma_start3A_115 = arith.constant 0 : i32
    %dma_start3A_116 = tpu.memref_slice %arg10[%dma_start3A_112, %dma_start3A_115] : memref<4x128xi32, #tpu.memory_space<vmem>> -> memref<1x128xi32, #tpu.memory_space<vmem>>
    %dma_start3A_117 = tpu.memref_squeeze %dma_start3A_116 : memref<1x128xi32, #tpu.memory_space<vmem>> -> memref<128xi32, #tpu.memory_space<vmem>>
    %dma_start3A_118 = arith.constant 0 : i32
    %dma_start3A_119 = tpu.memref_slice %arg4[%dma_start3A_118] : memref<125000xf32, #tpu.memory_space<hbm>> -> memref<125000xf32, #tpu.memory_space<hbm>>
    tpu.enqueue_indirect_dma source(%dma_start3A_119 : memref<125000xf32, #tpu.memory_space<hbm>>) target(%dma_start3A_114 : memref<128xf32, #tpu.memory_space<vmem>>) offsets(%dma_start3A_117 : memref<128xi32, #tpu.memory_space<vmem>>) semaphore(%arg19 : memref<!tpu.dma_semaphore, #tpu.memory_space<semaphore_mem>>)
    %dma_start3A_120 = arith.constant 3 : i32
    %dma_start3A_121 = arith.constant 384 : i32
    %dma_start3A_122 = arith.constant 0 : i32
    %dma_start3A_123 = tpu.memref_slice %arg11[%dma_start3A_121, %dma_start3A_122] : memref<512x32xf32, #tpu.memory_space<vmem>> -> memref<128x32xf32, #tpu.memory_space<vmem>>
    %dma_start3A_124 = arith.constant 0 : i32
    %dma_start3A_125 = tpu.memref_slice %arg7[%dma_start3A_120, %dma_start3A_124] : memref<4x128xi32, #tpu.memory_space<vmem>> -> memref<1x128xi32, #tpu.memory_space<vmem>>
    %dma_start3A_126 = tpu.memref_squeeze %dma_start3A_125 : memref<1x128xi32, #tpu.memory_space<vmem>> -> memref<128xi32, #tpu.memory_space<vmem>>
    %dma_start3A_127 = arith.constant 0 : i32
    %dma_start3A_128 = arith.constant 0 : i32
    %dma_start3A_129 = tpu.memref_slice %arg3[%dma_start3A_127, %dma_start3A_128] : memref<1000000x32xf32, #tpu.memory_space<hbm>> -> memref<1000000x32xf32, #tpu.memory_space<hbm>>
    tpu.enqueue_indirect_dma source(%dma_start3A_129 : memref<1000000x32xf32, #tpu.memory_space<hbm>>) target(%dma_start3A_123 : memref<128x32xf32, #tpu.memory_space<vmem>>) offsets(%dma_start3A_126 : memref<128xi32, #tpu.memory_space<vmem>>) semaphore(%arg16 : memref<!tpu.dma_semaphore, #tpu.memory_space<semaphore_mem>>)
    %dma_start3A_130 = arith.constant 3 : i32
    %dma_start3A_131 = arith.constant 384 : i32
    %dma_start3A_132 = arith.constant 0 : i32
    %dma_start3A_133 = tpu.memref_slice %arg12[%dma_start3A_131, %dma_start3A_132] : memref<512x32xf32, #tpu.memory_space<vmem>> -> memref<128x32xf32, #tpu.memory_space<vmem>>
    %dma_start3A_134 = arith.constant 0 : i32
    %dma_start3A_135 = tpu.memref_slice %arg8[%dma_start3A_130, %dma_start3A_134] : memref<4x128xi32, #tpu.memory_space<vmem>> -> memref<1x128xi32, #tpu.memory_space<vmem>>
    %dma_start3A_136 = tpu.memref_squeeze %dma_start3A_135 : memref<1x128xi32, #tpu.memory_space<vmem>> -> memref<128xi32, #tpu.memory_space<vmem>>
    %dma_start3A_137 = arith.constant 0 : i32
    %dma_start3A_138 = arith.constant 0 : i32
    %dma_start3A_139 = tpu.memref_slice %arg3[%dma_start3A_137, %dma_start3A_138] : memref<1000000x32xf32, #tpu.memory_space<hbm>> -> memref<1000000x32xf32, #tpu.memory_space<hbm>>
    tpu.enqueue_indirect_dma source(%dma_start3A_139 : memref<1000000x32xf32, #tpu.memory_space<hbm>>) target(%dma_start3A_133 : memref<128x32xf32, #tpu.memory_space<vmem>>) offsets(%dma_start3A_136 : memref<128xi32, #tpu.memory_space<vmem>>) semaphore(%arg17 : memref<!tpu.dma_semaphore, #tpu.memory_space<semaphore_mem>>)
    %dma_start3A_140 = arith.constant 3 : i32
    %dma_start3A_141 = arith.constant 384 : i32
    %dma_start3A_142 = tpu.memref_slice %arg13[%dma_start3A_141] : memref<512xf32, #tpu.memory_space<vmem>> -> memref<128xf32, #tpu.memory_space<vmem>>
    %dma_start3A_143 = arith.constant 0 : i32
    %dma_start3A_144 = tpu.memref_slice %arg9[%dma_start3A_140, %dma_start3A_143] : memref<4x128xi32, #tpu.memory_space<vmem>> -> memref<1x128xi32, #tpu.memory_space<vmem>>
    %dma_start3A_145 = tpu.memref_squeeze %dma_start3A_144 : memref<1x128xi32, #tpu.memory_space<vmem>> -> memref<128xi32, #tpu.memory_space<vmem>>
    %dma_start3A_146 = arith.constant 0 : i32
    %dma_start3A_147 = tpu.memref_slice %arg4[%dma_start3A_146] : memref<125000xf32, #tpu.memory_space<hbm>> -> memref<125000xf32, #tpu.memory_space<hbm>>
    tpu.enqueue_indirect_dma source(%dma_start3A_147 : memref<125000xf32, #tpu.memory_space<hbm>>) target(%dma_start3A_142 : memref<128xf32, #tpu.memory_space<vmem>>) offsets(%dma_start3A_145 : memref<128xi32, #tpu.memory_space<vmem>>) semaphore(%arg18 : memref<!tpu.dma_semaphore, #tpu.memory_space<semaphore_mem>>)
    %dma_start3A_148 = arith.constant 3 : i32
    %dma_start3A_149 = arith.constant 384 : i32
    %dma_start3A_150 = tpu.memref_slice %arg14[%dma_start3A_149] : memref<512xf32, #tpu.memory_space<vmem>> -> memref<128xf32, #tpu.memory_space<vmem>>
    %dma_start3A_151 = arith.constant 0 : i32
    %dma_start3A_152 = tpu.memref_slice %arg10[%dma_start3A_148, %dma_start3A_151] : memref<4x128xi32, #tpu.memory_space<vmem>> -> memref<1x128xi32, #tpu.memory_space<vmem>>
    %dma_start3A_153 = tpu.memref_squeeze %dma_start3A_152 : memref<1x128xi32, #tpu.memory_space<vmem>> -> memref<128xi32, #tpu.memory_space<vmem>>
    %dma_start3A_154 = arith.constant 0 : i32
    %dma_start3A_155 = tpu.memref_slice %arg4[%dma_start3A_154] : memref<125000xf32, #tpu.memory_space<hbm>> -> memref<125000xf32, #tpu.memory_space<hbm>>
    tpu.enqueue_indirect_dma source(%dma_start3A_155 : memref<125000xf32, #tpu.memory_space<hbm>>) target(%dma_start3A_150 : memref<128xf32, #tpu.memory_space<vmem>>) offsets(%dma_start3A_153 : memref<128xi32, #tpu.memory_space<vmem>>) semaphore(%arg19 : memref<!tpu.dma_semaphore, #tpu.memory_space<semaphore_mem>>)
    %dma_wait3A = arith.constant 0 : i32
    %dma_wait3A_156 = arith.constant 0 : i32
    %dma_wait3A_157 = arith.constant 0 : i32
    %dma_wait3A_158 = tpu.memref_slice %arg11[%dma_wait3A_156, %dma_wait3A_157] : memref<512x32xf32, #tpu.memory_space<vmem>> -> memref<128x32xf32, #tpu.memory_space<vmem>>
    %dma_wait3A_159 = arith.constant 0 : i32
    %dma_wait3A_160 = tpu.memref_slice %arg7[%dma_wait3A, %dma_wait3A_159] : memref<4x128xi32, #tpu.memory_space<vmem>> -> memref<1x128xi32, #tpu.memory_space<vmem>>
    %dma_wait3A_161 = tpu.memref_squeeze %dma_wait3A_160 : memref<1x128xi32, #tpu.memory_space<vmem>> -> memref<128xi32, #tpu.memory_space<vmem>>
    %dma_wait3A_162 = arith.constant 0 : i32
    %dma_wait3A_163 = arith.constant 0 : i32
    %dma_wait3A_164 = tpu.memref_slice %arg3[%dma_wait3A_162, %dma_wait3A_163] : memref<1000000x32xf32, #tpu.memory_space<hbm>> -> memref<1000000x32xf32, #tpu.memory_space<hbm>>
    tpu.wait_indirect_dma semaphore(%arg16 : memref<!tpu.dma_semaphore, #tpu.memory_space<semaphore_mem>>) src(%dma_wait3A_164 : memref<1000000x32xf32, #tpu.memory_space<hbm>>) dst(%dma_wait3A_158 : memref<128x32xf32, #tpu.memory_space<vmem>>)
    %dma_wait3A_165 = arith.constant 0 : i32
    %dma_wait3A_166 = arith.constant 0 : i32
    %dma_wait3A_167 = arith.constant 0 : i32
    %dma_wait3A_168 = tpu.memref_slice %arg12[%dma_wait3A_166, %dma_wait3A_167] : memref<512x32xf32, #tpu.memory_space<vmem>> -> memref<128x32xf32, #tpu.memory_space<vmem>>
    %dma_wait3A_169 = arith.constant 0 : i32
    %dma_wait3A_170 = tpu.memref_slice %arg8[%dma_wait3A_165, %dma_wait3A_169] : memref<4x128xi32, #tpu.memory_space<vmem>> -> memref<1x128xi32, #tpu.memory_space<vmem>>
    %dma_wait3A_171 = tpu.memref_squeeze %dma_wait3A_170 : memref<1x128xi32, #tpu.memory_space<vmem>> -> memref<128xi32, #tpu.memory_space<vmem>>
    %dma_wait3A_172 = arith.constant 0 : i32
    %dma_wait3A_173 = arith.constant 0 : i32
    %dma_wait3A_174 = tpu.memref_slice %arg3[%dma_wait3A_172, %dma_wait3A_173] : memref<1000000x32xf32, #tpu.memory_space<hbm>> -> memref<1000000x32xf32, #tpu.memory_space<hbm>>
    tpu.wait_indirect_dma semaphore(%arg17 : memref<!tpu.dma_semaphore, #tpu.memory_space<semaphore_mem>>) src(%dma_wait3A_174 : memref<1000000x32xf32, #tpu.memory_space<hbm>>) dst(%dma_wait3A_168 : memref<128x32xf32, #tpu.memory_space<vmem>>)
    %dma_wait3A_175 = arith.constant 0 : i32
    %dma_wait3A_176 = arith.constant 0 : i32
    %dma_wait3A_177 = tpu.memref_slice %arg13[%dma_wait3A_176] : memref<512xf32, #tpu.memory_space<vmem>> -> memref<128xf32, #tpu.memory_space<vmem>>
    %dma_wait3A_178 = arith.constant 0 : i32
    %dma_wait3A_179 = tpu.memref_slice %arg9[%dma_wait3A_175, %dma_wait3A_178] : memref<4x128xi32, #tpu.memory_space<vmem>> -> memref<1x128xi32, #tpu.memory_space<vmem>>
    %dma_wait3A_180 = tpu.memref_squeeze %dma_wait3A_179 : memref<1x128xi32, #tpu.memory_space<vmem>> -> memref<128xi32, #tpu.memory_space<vmem>>
    %dma_wait3A_181 = arith.constant 0 : i32
    %dma_wait3A_182 = tpu.memref_slice %arg4[%dma_wait3A_181] : memref<125000xf32, #tpu.memory_space<hbm>> -> memref<125000xf32, #tpu.memory_space<hbm>>
    tpu.wait_indirect_dma semaphore(%arg18 : memref<!tpu.dma_semaphore, #tpu.memory_space<semaphore_mem>>) src(%dma_wait3A_182 : memref<125000xf32, #tpu.memory_space<hbm>>) dst(%dma_wait3A_177 : memref<128xf32, #tpu.memory_space<vmem>>)
    %dma_wait3A_183 = arith.constant 0 : i32
    %dma_wait3A_184 = arith.constant 0 : i32
    %dma_wait3A_185 = tpu.memref_slice %arg14[%dma_wait3A_184] : memref<512xf32, #tpu.memory_space<vmem>> -> memref<128xf32, #tpu.memory_space<vmem>>
    %dma_wait3A_186 = arith.constant 0 : i32
    %dma_wait3A_187 = tpu.memref_slice %arg10[%dma_wait3A_183, %dma_wait3A_186] : memref<4x128xi32, #tpu.memory_space<vmem>> -> memref<1x128xi32, #tpu.memory_space<vmem>>
    %dma_wait3A_188 = tpu.memref_squeeze %dma_wait3A_187 : memref<1x128xi32, #tpu.memory_space<vmem>> -> memref<128xi32, #tpu.memory_space<vmem>>
    %dma_wait3A_189 = arith.constant 0 : i32
    %dma_wait3A_190 = tpu.memref_slice %arg4[%dma_wait3A_189] : memref<125000xf32, #tpu.memory_space<hbm>> -> memref<125000xf32, #tpu.memory_space<hbm>>
    tpu.wait_indirect_dma semaphore(%arg19 : memref<!tpu.dma_semaphore, #tpu.memory_space<semaphore_mem>>) src(%dma_wait3A_190 : memref<125000xf32, #tpu.memory_space<hbm>>) dst(%dma_wait3A_185 : memref<128xf32, #tpu.memory_space<vmem>>)
    %dma_wait3A_191 = arith.constant 1 : i32
    %dma_wait3A_192 = arith.constant 128 : i32
    %dma_wait3A_193 = arith.constant 0 : i32
    %dma_wait3A_194 = tpu.memref_slice %arg11[%dma_wait3A_192, %dma_wait3A_193] : memref<512x32xf32, #tpu.memory_space<vmem>> -> memref<128x32xf32, #tpu.memory_space<vmem>>
    %dma_wait3A_195 = arith.constant 0 : i32
    %dma_wait3A_196 = tpu.memref_slice %arg7[%dma_wait3A_191, %dma_wait3A_195] : memref<4x128xi32, #tpu.memory_space<vmem>> -> memref<1x128xi32, #tpu.memory_space<vmem>>
    %dma_wait3A_197 = tpu.memref_squeeze %dma_wait3A_196 : memref<1x128xi32, #tpu.memory_space<vmem>> -> memref<128xi32, #tpu.memory_space<vmem>>
    %dma_wait3A_198 = arith.constant 0 : i32
    %dma_wait3A_199 = arith.constant 0 : i32
    %dma_wait3A_200 = tpu.memref_slice %arg3[%dma_wait3A_198, %dma_wait3A_199] : memref<1000000x32xf32, #tpu.memory_space<hbm>> -> memref<1000000x32xf32, #tpu.memory_space<hbm>>
    tpu.wait_indirect_dma semaphore(%arg16 : memref<!tpu.dma_semaphore, #tpu.memory_space<semaphore_mem>>) src(%dma_wait3A_200 : memref<1000000x32xf32, #tpu.memory_space<hbm>>) dst(%dma_wait3A_194 : memref<128x32xf32, #tpu.memory_space<vmem>>)
    %dma_wait3A_201 = arith.constant 1 : i32
    %dma_wait3A_202 = arith.constant 128 : i32
    %dma_wait3A_203 = arith.constant 0 : i32
    %dma_wait3A_204 = tpu.memref_slice %arg12[%dma_wait3A_202, %dma_wait3A_203] : memref<512x32xf32, #tpu.memory_space<vmem>> -> memref<128x32xf32, #tpu.memory_space<vmem>>
    %dma_wait3A_205 = arith.constant 0 : i32
    %dma_wait3A_206 = tpu.memref_slice %arg8[%dma_wait3A_201, %dma_wait3A_205] : memref<4x128xi32, #tpu.memory_space<vmem>> -> memref<1x128xi32, #tpu.memory_space<vmem>>
    %dma_wait3A_207 = tpu.memref_squeeze %dma_wait3A_206 : memref<1x128xi32, #tpu.memory_space<vmem>> -> memref<128xi32, #tpu.memory_space<vmem>>
    %dma_wait3A_208 = arith.constant 0 : i32
    %dma_wait3A_209 = arith.constant 0 : i32
    %dma_wait3A_210 = tpu.memref_slice %arg3[%dma_wait3A_208, %dma_wait3A_209] : memref<1000000x32xf32, #tpu.memory_space<hbm>> -> memref<1000000x32xf32, #tpu.memory_space<hbm>>
    tpu.wait_indirect_dma semaphore(%arg17 : memref<!tpu.dma_semaphore, #tpu.memory_space<semaphore_mem>>) src(%dma_wait3A_210 : memref<1000000x32xf32, #tpu.memory_space<hbm>>) dst(%dma_wait3A_204 : memref<128x32xf32, #tpu.memory_space<vmem>>)
    %dma_wait3A_211 = arith.constant 1 : i32
    %dma_wait3A_212 = arith.constant 128 : i32
    %dma_wait3A_213 = tpu.memref_slice %arg13[%dma_wait3A_212] : memref<512xf32, #tpu.memory_space<vmem>> -> memref<128xf32, #tpu.memory_space<vmem>>
    %dma_wait3A_214 = arith.constant 0 : i32
    %dma_wait3A_215 = tpu.memref_slice %arg9[%dma_wait3A_211, %dma_wait3A_214] : memref<4x128xi32, #tpu.memory_space<vmem>> -> memref<1x128xi32, #tpu.memory_space<vmem>>
    %dma_wait3A_216 = tpu.memref_squeeze %dma_wait3A_215 : memref<1x128xi32, #tpu.memory_space<vmem>> -> memref<128xi32, #tpu.memory_space<vmem>>
    %dma_wait3A_217 = arith.constant 0 : i32
    %dma_wait3A_218 = tpu.memref_slice %arg4[%dma_wait3A_217] : memref<125000xf32, #tpu.memory_space<hbm>> -> memref<125000xf32, #tpu.memory_space<hbm>>
    tpu.wait_indirect_dma semaphore(%arg18 : memref<!tpu.dma_semaphore, #tpu.memory_space<semaphore_mem>>) src(%dma_wait3A_218 : memref<125000xf32, #tpu.memory_space<hbm>>) dst(%dma_wait3A_213 : memref<128xf32, #tpu.memory_space<vmem>>)
    %dma_wait3A_219 = arith.constant 1 : i32
    %dma_wait3A_220 = arith.constant 128 : i32
    %dma_wait3A_221 = tpu.memref_slice %arg14[%dma_wait3A_220] : memref<512xf32, #tpu.memory_space<vmem>> -> memref<128xf32, #tpu.memory_space<vmem>>
    %dma_wait3A_222 = arith.constant 0 : i32
    %dma_wait3A_223 = tpu.memref_slice %arg10[%dma_wait3A_219, %dma_wait3A_222] : memref<4x128xi32, #tpu.memory_space<vmem>> -> memref<1x128xi32, #tpu.memory_space<vmem>>
    %dma_wait3A_224 = tpu.memref_squeeze %dma_wait3A_223 : memref<1x128xi32, #tpu.memory_space<vmem>> -> memref<128xi32, #tpu.memory_space<vmem>>
    %dma_wait3A_225 = arith.constant 0 : i32
    %dma_wait3A_226 = tpu.memref_slice %arg4[%dma_wait3A_225] : memref<125000xf32, #tpu.memory_space<hbm>> -> memref<125000xf32, #tpu.memory_space<hbm>>
    tpu.wait_indirect_dma semaphore(%arg19 : memref<!tpu.dma_semaphore, #tpu.memory_space<semaphore_mem>>) src(%dma_wait3A_226 : memref<125000xf32, #tpu.memory_space<hbm>>) dst(%dma_wait3A_221 : memref<128xf32, #tpu.memory_space<vmem>>)
    %dma_wait3A_227 = arith.constant 2 : i32
    %dma_wait3A_228 = arith.constant 256 : i32
    %dma_wait3A_229 = arith.constant 0 : i32
    %dma_wait3A_230 = tpu.memref_slice %arg11[%dma_wait3A_228, %dma_wait3A_229] : memref<512x32xf32, #tpu.memory_space<vmem>> -> memref<128x32xf32, #tpu.memory_space<vmem>>
    %dma_wait3A_231 = arith.constant 0 : i32
    %dma_wait3A_232 = tpu.memref_slice %arg7[%dma_wait3A_227, %dma_wait3A_231] : memref<4x128xi32, #tpu.memory_space<vmem>> -> memref<1x128xi32, #tpu.memory_space<vmem>>
    %dma_wait3A_233 = tpu.memref_squeeze %dma_wait3A_232 : memref<1x128xi32, #tpu.memory_space<vmem>> -> memref<128xi32, #tpu.memory_space<vmem>>
    %dma_wait3A_234 = arith.constant 0 : i32
    %dma_wait3A_235 = arith.constant 0 : i32
    %dma_wait3A_236 = tpu.memref_slice %arg3[%dma_wait3A_234, %dma_wait3A_235] : memref<1000000x32xf32, #tpu.memory_space<hbm>> -> memref<1000000x32xf32, #tpu.memory_space<hbm>>
    tpu.wait_indirect_dma semaphore(%arg16 : memref<!tpu.dma_semaphore, #tpu.memory_space<semaphore_mem>>) src(%dma_wait3A_236 : memref<1000000x32xf32, #tpu.memory_space<hbm>>) dst(%dma_wait3A_230 : memref<128x32xf32, #tpu.memory_space<vmem>>)
    %dma_wait3A_237 = arith.constant 2 : i32
    %dma_wait3A_238 = arith.constant 256 : i32
    %dma_wait3A_239 = arith.constant 0 : i32
    %dma_wait3A_240 = tpu.memref_slice %arg12[%dma_wait3A_238, %dma_wait3A_239] : memref<512x32xf32, #tpu.memory_space<vmem>> -> memref<128x32xf32, #tpu.memory_space<vmem>>
    %dma_wait3A_241 = arith.constant 0 : i32
    %dma_wait3A_242 = tpu.memref_slice %arg8[%dma_wait3A_237, %dma_wait3A_241] : memref<4x128xi32, #tpu.memory_space<vmem>> -> memref<1x128xi32, #tpu.memory_space<vmem>>
    %dma_wait3A_243 = tpu.memref_squeeze %dma_wait3A_242 : memref<1x128xi32, #tpu.memory_space<vmem>> -> memref<128xi32, #tpu.memory_space<vmem>>
    %dma_wait3A_244 = arith.constant 0 : i32
    %dma_wait3A_245 = arith.constant 0 : i32
    %dma_wait3A_246 = tpu.memref_slice %arg3[%dma_wait3A_244, %dma_wait3A_245] : memref<1000000x32xf32, #tpu.memory_space<hbm>> -> memref<1000000x32xf32, #tpu.memory_space<hbm>>
    tpu.wait_indirect_dma semaphore(%arg17 : memref<!tpu.dma_semaphore, #tpu.memory_space<semaphore_mem>>) src(%dma_wait3A_246 : memref<1000000x32xf32, #tpu.memory_space<hbm>>) dst(%dma_wait3A_240 : memref<128x32xf32, #tpu.memory_space<vmem>>)
    %dma_wait3A_247 = arith.constant 2 : i32
    %dma_wait3A_248 = arith.constant 256 : i32
    %dma_wait3A_249 = tpu.memref_slice %arg13[%dma_wait3A_248] : memref<512xf32, #tpu.memory_space<vmem>> -> memref<128xf32, #tpu.memory_space<vmem>>
    %dma_wait3A_250 = arith.constant 0 : i32
    %dma_wait3A_251 = tpu.memref_slice %arg9[%dma_wait3A_247, %dma_wait3A_250] : memref<4x128xi32, #tpu.memory_space<vmem>> -> memref<1x128xi32, #tpu.memory_space<vmem>>
    %dma_wait3A_252 = tpu.memref_squeeze %dma_wait3A_251 : memref<1x128xi32, #tpu.memory_space<vmem>> -> memref<128xi32, #tpu.memory_space<vmem>>
    %dma_wait3A_253 = arith.constant 0 : i32
    %dma_wait3A_254 = tpu.memref_slice %arg4[%dma_wait3A_253] : memref<125000xf32, #tpu.memory_space<hbm>> -> memref<125000xf32, #tpu.memory_space<hbm>>
    tpu.wait_indirect_dma semaphore(%arg18 : memref<!tpu.dma_semaphore, #tpu.memory_space<semaphore_mem>>) src(%dma_wait3A_254 : memref<125000xf32, #tpu.memory_space<hbm>>) dst(%dma_wait3A_249 : memref<128xf32, #tpu.memory_space<vmem>>)
    %dma_wait3A_255 = arith.constant 2 : i32
    %dma_wait3A_256 = arith.constant 256 : i32
    %dma_wait3A_257 = tpu.memref_slice %arg14[%dma_wait3A_256] : memref<512xf32, #tpu.memory_space<vmem>> -> memref<128xf32, #tpu.memory_space<vmem>>
    %dma_wait3A_258 = arith.constant 0 : i32
    %dma_wait3A_259 = tpu.memref_slice %arg10[%dma_wait3A_255, %dma_wait3A_258] : memref<4x128xi32, #tpu.memory_space<vmem>> -> memref<1x128xi32, #tpu.memory_space<vmem>>
    %dma_wait3A_260 = tpu.memref_squeeze %dma_wait3A_259 : memref<1x128xi32, #tpu.memory_space<vmem>> -> memref<128xi32, #tpu.memory_space<vmem>>
    %dma_wait3A_261 = arith.constant 0 : i32
    %dma_wait3A_262 = tpu.memref_slice %arg4[%dma_wait3A_261] : memref<125000xf32, #tpu.memory_space<hbm>> -> memref<125000xf32, #tpu.memory_space<hbm>>
    tpu.wait_indirect_dma semaphore(%arg19 : memref<!tpu.dma_semaphore, #tpu.memory_space<semaphore_mem>>) src(%dma_wait3A_262 : memref<125000xf32, #tpu.memory_space<hbm>>) dst(%dma_wait3A_257 : memref<128xf32, #tpu.memory_space<vmem>>)
    %dma_wait3A_263 = arith.constant 3 : i32
    %dma_wait3A_264 = arith.constant 384 : i32
    %dma_wait3A_265 = arith.constant 0 : i32
    %dma_wait3A_266 = tpu.memref_slice %arg11[%dma_wait3A_264, %dma_wait3A_265] : memref<512x32xf32, #tpu.memory_space<vmem>> -> memref<128x32xf32, #tpu.memory_space<vmem>>
    %dma_wait3A_267 = arith.constant 0 : i32
    %dma_wait3A_268 = tpu.memref_slice %arg7[%dma_wait3A_263, %dma_wait3A_267] : memref<4x128xi32, #tpu.memory_space<vmem>> -> memref<1x128xi32, #tpu.memory_space<vmem>>
    %dma_wait3A_269 = tpu.memref_squeeze %dma_wait3A_268 : memref<1x128xi32, #tpu.memory_space<vmem>> -> memref<128xi32, #tpu.memory_space<vmem>>
    %dma_wait3A_270 = arith.constant 0 : i32
    %dma_wait3A_271 = arith.constant 0 : i32
    %dma_wait3A_272 = tpu.memref_slice %arg3[%dma_wait3A_270, %dma_wait3A_271] : memref<1000000x32xf32, #tpu.memory_space<hbm>> -> memref<1000000x32xf32, #tpu.memory_space<hbm>>
    tpu.wait_indirect_dma semaphore(%arg16 : memref<!tpu.dma_semaphore, #tpu.memory_space<semaphore_mem>>) src(%dma_wait3A_272 : memref<1000000x32xf32, #tpu.memory_space<hbm>>) dst(%dma_wait3A_266 : memref<128x32xf32, #tpu.memory_space<vmem>>)
    %dma_wait3A_273 = arith.constant 3 : i32
    %dma_wait3A_274 = arith.constant 384 : i32
    %dma_wait3A_275 = arith.constant 0 : i32
    %dma_wait3A_276 = tpu.memref_slice %arg12[%dma_wait3A_274, %dma_wait3A_275] : memref<512x32xf32, #tpu.memory_space<vmem>> -> memref<128x32xf32, #tpu.memory_space<vmem>>
    %dma_wait3A_277 = arith.constant 0 : i32
    %dma_wait3A_278 = tpu.memref_slice %arg8[%dma_wait3A_273, %dma_wait3A_277] : memref<4x128xi32, #tpu.memory_space<vmem>> -> memref<1x128xi32, #tpu.memory_space<vmem>>
    %dma_wait3A_279 = tpu.memref_squeeze %dma_wait3A_278 : memref<1x128xi32, #tpu.memory_space<vmem>> -> memref<128xi32, #tpu.memory_space<vmem>>
    %dma_wait3A_280 = arith.constant 0 : i32
    %dma_wait3A_281 = arith.constant 0 : i32
    %dma_wait3A_282 = tpu.memref_slice %arg3[%dma_wait3A_280, %dma_wait3A_281] : memref<1000000x32xf32, #tpu.memory_space<hbm>> -> memref<1000000x32xf32, #tpu.memory_space<hbm>>
    tpu.wait_indirect_dma semaphore(%arg17 : memref<!tpu.dma_semaphore, #tpu.memory_space<semaphore_mem>>) src(%dma_wait3A_282 : memref<1000000x32xf32, #tpu.memory_space<hbm>>) dst(%dma_wait3A_276 : memref<128x32xf32, #tpu.memory_space<vmem>>)
    %dma_wait3A_283 = arith.constant 3 : i32
    %dma_wait3A_284 = arith.constant 384 : i32
    %dma_wait3A_285 = tpu.memref_slice %arg13[%dma_wait3A_284] : memref<512xf32, #tpu.memory_space<vmem>> -> memref<128xf32, #tpu.memory_space<vmem>>
    %dma_wait3A_286 = arith.constant 0 : i32
    %dma_wait3A_287 = tpu.memref_slice %arg9[%dma_wait3A_283, %dma_wait3A_286] : memref<4x128xi32, #tpu.memory_space<vmem>> -> memref<1x128xi32, #tpu.memory_space<vmem>>
    %dma_wait3A_288 = tpu.memref_squeeze %dma_wait3A_287 : memref<1x128xi32, #tpu.memory_space<vmem>> -> memref<128xi32, #tpu.memory_space<vmem>>
    %dma_wait3A_289 = arith.constant 0 : i32
    %dma_wait3A_290 = tpu.memref_slice %arg4[%dma_wait3A_289] : memref<125000xf32, #tpu.memory_space<hbm>> -> memref<125000xf32, #tpu.memory_space<hbm>>
    tpu.wait_indirect_dma semaphore(%arg18 : memref<!tpu.dma_semaphore, #tpu.memory_space<semaphore_mem>>) src(%dma_wait3A_290 : memref<125000xf32, #tpu.memory_space<hbm>>) dst(%dma_wait3A_285 : memref<128xf32, #tpu.memory_space<vmem>>)
    %dma_wait3A_291 = arith.constant 3 : i32
    %dma_wait3A_292 = arith.constant 384 : i32
    %dma_wait3A_293 = tpu.memref_slice %arg14[%dma_wait3A_292] : memref<512xf32, #tpu.memory_space<vmem>> -> memref<128xf32, #tpu.memory_space<vmem>>
    %dma_wait3A_294 = arith.constant 0 : i32
    %dma_wait3A_295 = tpu.memref_slice %arg10[%dma_wait3A_291, %dma_wait3A_294] : memref<4x128xi32, #tpu.memory_space<vmem>> -> memref<1x128xi32, #tpu.memory_space<vmem>>
    %dma_wait3A_296 = tpu.memref_squeeze %dma_wait3A_295 : memref<1x128xi32, #tpu.memory_space<vmem>> -> memref<128xi32, #tpu.memory_space<vmem>>
    %dma_wait3A_297 = arith.constant 0 : i32
    %dma_wait3A_298 = tpu.memref_slice %arg4[%dma_wait3A_297] : memref<125000xf32, #tpu.memory_space<hbm>> -> memref<125000xf32, #tpu.memory_space<hbm>>
    tpu.wait_indirect_dma semaphore(%arg19 : memref<!tpu.dma_semaphore, #tpu.memory_space<semaphore_mem>>) src(%dma_wait3A_298 : memref<125000xf32, #tpu.memory_space<hbm>>) dst(%dma_wait3A_293 : memref<128xf32, #tpu.memory_space<vmem>>)
    %while3A_299 = arith.constant 0 : i32
    %while3A_300 = arith.constant 0 : i32
    %while3A_301 = arith.constant 512 : i32
    %while3A_302 = arith.subi %while3A_301, %while3A_300 : i32
    %while3A_303 = arith.addi %while3A_300, %while3A_302 : i32
    %while3A_304 = arith.constant 1 : i32
    %while3A_305 = arith.divsi %while3A_302, %while3A_304 : i32
    %while3A_306 = arith.muli %while3A_305, %while3A_304 : i32
    %while3A_307 = arith.addi %while3A_300, %while3A_306 : i32
    %while3A_308 = arith.constant 1 : i32
    scf.for %while3A_310 = %while3A_300 to %while3A_307 step %while3A_308  : i32 {
      %broadcast_in_dim3A = vector.broadcast %while3A_310 : i32 to vector<16xi32>
      %gather3A = tpu.vector_load_idx %arg13[%broadcast_in_dim3A] : memref<512xf32, #tpu.memory_space<vmem>>[vector<16xi32>], vector<16xf32>,
      %gather3A_311 = tpu.vector_load_idx %arg14[%broadcast_in_dim3A] : memref<512xf32, #tpu.memory_space<vmem>>[vector<16xi32>], vector<16xf32>,
      %get3A = arith.index_cast %while3A_310 : i32 to index
      %get3A_312 = arith.constant 0 : index
      %get3A_313 = tpu.vector_load %arg11[%get3A, %get3A_312] {strides = array<i32>} : memref<512x32xf32, #tpu.memory_space<vmem>>, vector<16xf32>,
      %get3A_314 = arith.index_cast %while3A_310 : i32 to index
      %get3A_315 = arith.constant 16 : index
      %get3A_316 = tpu.vector_load %arg11[%get3A_314, %get3A_315] {strides = array<i32>} : memref<512x32xf32, #tpu.memory_space<vmem>>, vector<16xf32>,
      %get3A_317 = arith.index_cast %while3A_310 : i32 to index
      %get3A_318 = arith.constant 0 : index
      %get3A_319 = tpu.vector_load %arg12[%get3A_317, %get3A_318] {strides = array<i32>} : memref<512x32xf32, #tpu.memory_space<vmem>>, vector<16xf32>,
      %get3A_320 = arith.index_cast %while3A_310 : i32 to index
      %get3A_321 = arith.constant 16 : index
      %get3A_322 = tpu.vector_load %arg12[%get3A_320, %get3A_321] {strides = array<i32>} : memref<512x32xf32, #tpu.memory_space<vmem>>, vector<16xf32>,
      %mul3A_323 = arith.mulf %gather3A, %get3A_313 : vector<16xf32>
      %mul3A_324 = arith.mulf %gather3A_311, %get3A_319 : vector<16xf32>
      %add3A_325 = arith.addf %mul3A_323, %mul3A_324 : vector<16xf32>
      %swap3A = arith.index_cast %while3A_310 : i32 to index
      %swap3A_326 = arith.constant 0 : index
      %swap3A_327 = tpu.vector_load %arg15[%swap3A, %swap3A_326] {strides = array<i32>} : memref<512x32xf32, #tpu.memory_space<vmem>>, vector<16xf32>,
      tpu.vector_store %arg15[%swap3A, %swap3A_326], %add3A_325 {strides = array<i32>} : memref<512x32xf32, #tpu.memory_space<vmem>>, vector<16xf32>,
      %mul3A_328 = arith.mulf %gather3A, %get3A_316 : vector<16xf32>
      %mul3A_329 = arith.mulf %gather3A_311, %get3A_322 : vector<16xf32>
      %add3A_330 = arith.addf %mul3A_328, %mul3A_329 : vector<16xf32>
      %swap3A_331 = arith.index_cast %while3A_310 : i32 to index
      %swap3A_332 = arith.constant 16 : index
      %swap3A_333 = tpu.vector_load %arg15[%swap3A_331, %swap3A_332] {strides = array<i32>} : memref<512x32xf32, #tpu.memory_space<vmem>>, vector<16xf32>,
      tpu.vector_store %arg15[%swap3A_331, %swap3A_332], %add3A_330 {strides = array<i32>} : memref<512x32xf32, #tpu.memory_space<vmem>>, vector<16xf32>,
    }
    %while3A_309 = arith.constant 1 : i32
    scf.for %while3A_310 = %while3A_307 to %while3A_303 step %while3A_309  : i32 {
      %broadcast_in_dim3A = vector.broadcast %while3A_310 : i32 to vector<16xi32>
      %gather3A = tpu.vector_load_idx %arg13[%broadcast_in_dim3A] : memref<512xf32, #tpu.memory_space<vmem>>[vector<16xi32>], vector<16xf32>,
      %gather3A_311 = tpu.vector_load_idx %arg14[%broadcast_in_dim3A] : memref<512xf32, #tpu.memory_space<vmem>>[vector<16xi32>], vector<16xf32>,
      %get3A = arith.index_cast %while3A_310 : i32 to index
      %get3A_312 = arith.constant 0 : index
      %get3A_313 = tpu.vector_load %arg11[%get3A, %get3A_312] {strides = array<i32>} : memref<512x32xf32, #tpu.memory_space<vmem>>, vector<16xf32>,
      %get3A_314 = arith.index_cast %while3A_310 : i32 to index
      %get3A_315 = arith.constant 16 : index
      %get3A_316 = tpu.vector_load %arg11[%get3A_314, %get3A_315] {strides = array<i32>} : memref<512x32xf32, #tpu.memory_space<vmem>>, vector<16xf32>,
      %get3A_317 = arith.index_cast %while3A_310 : i32 to index
      %get3A_318 = arith.constant 0 : index
      %get3A_319 = tpu.vector_load %arg12[%get3A_317, %get3A_318] {strides = array<i32>} : memref<512x32xf32, #tpu.memory_space<vmem>>, vector<16xf32>,
      %get3A_320 = arith.index_cast %while3A_310 : i32 to index
      %get3A_321 = arith.constant 16 : index
      %get3A_322 = tpu.vector_load %arg12[%get3A_320, %get3A_321] {strides = array<i32>} : memref<512x32xf32, #tpu.memory_space<vmem>>, vector<16xf32>,
      %mul3A_323 = arith.mulf %gather3A, %get3A_313 : vector<16xf32>
      %mul3A_324 = arith.mulf %gather3A_311, %get3A_319 : vector<16xf32>
      %add3A_325 = arith.addf %mul3A_323, %mul3A_324 : vector<16xf32>
      %swap3A = arith.index_cast %while3A_310 : i32 to index
      %swap3A_326 = arith.constant 0 : index
      %swap3A_327 = tpu.vector_load %arg15[%swap3A, %swap3A_326] {strides = array<i32>} : memref<512x32xf32, #tpu.memory_space<vmem>>, vector<16xf32>,
      tpu.vector_store %arg15[%swap3A, %swap3A_326], %add3A_325 {strides = array<i32>} : memref<512x32xf32, #tpu.memory_space<vmem>>, vector<16xf32>,
      %mul3A_328 = arith.mulf %gather3A, %get3A_316 : vector<16xf32>
      %mul3A_329 = arith.mulf %gather3A_311, %get3A_322 : vector<16xf32>
      %add3A_330 = arith.addf %mul3A_328, %mul3A_329 : vector<16xf32>
      %swap3A_331 = arith.index_cast %while3A_310 : i32 to index
      %swap3A_332 = arith.constant 16 : index
      %swap3A_333 = tpu.vector_load %arg15[%swap3A_331, %swap3A_332] {strides = array<i32>} : memref<512x32xf32, #tpu.memory_space<vmem>>, vector<16xf32>,
      tpu.vector_store %arg15[%swap3A_331, %swap3A_332], %add3A_330 {strides = array<i32>} : memref<512x32xf32, #tpu.memory_space<vmem>>, vector<16xf32>,
    }
    "tpu.region"() ({
      %run_scoped3A = tpu.sem_alloc : memref<!tpu.dma_semaphore, #tpu.memory_space<semaphore_mem>>
      %dma_start3A_310 = arith.constant 0 : i32
      %dma_start3A_311 = tpu.memref_slice %arg5[%mul3A_2, %dma_start3A_310] : memref<16384x32xf32, #tpu.memory_space<hbm>> -> memref<512x32xf32, #tpu.memory_space<hbm>>
      %dma_start3A_312 = arith.constant 0 : i32
      %dma_start3A_313 = tpu.memref_slice %arg5[%mul3A_2, %dma_start3A_312] : memref<16384x32xf32, #tpu.memory_space<hbm>> -> memref<512x32xf32, #tpu.memory_space<hbm>>
      tpu.enqueue_dma source(%arg15 : memref<512x32xf32, #tpu.memory_space<vmem>>) target(%dma_start3A_313 : memref<512x32xf32, #tpu.memory_space<hbm>>) target_semaphore(%run_scoped3A : memref<!tpu.dma_semaphore, #tpu.memory_space<semaphore_mem>>)
      %dma_wait3A_314 = arith.constant 0 : i32
      %dma_wait3A_315 = tpu.memref_slice %arg5[%mul3A_2, %dma_wait3A_314] : memref<16384x32xf32, #tpu.memory_space<hbm>> -> memref<512x32xf32, #tpu.memory_space<hbm>>
      %dma_wait3A_316 = arith.constant 0 : i32
      %dma_wait3A_317 = tpu.memref_slice %arg5[%mul3A_2, %dma_wait3A_316] : memref<16384x32xf32, #tpu.memory_space<hbm>> -> memref<512x32xf32, #tpu.memory_space<hbm>>
      tpu.wait_dma2 semaphore(%run_scoped3A : memref<!tpu.dma_semaphore, #tpu.memory_space<semaphore_mem>>) src(%arg15 : memref<512x32xf32, #tpu.memory_space<vmem>>) dst(%dma_wait3A_317 : memref<512x32xf32, #tpu.memory_space<hbm>>)
      tpu.yield
    }) : () -> ()
    return
  }
}

</mosaic_0001>

<sc_bundles>
// kernel: kernel.3.cloned.1.call-start
scs
__scs_entry_jumppad:
0x0: {  	(pc) =	sbr.rel $0x88, $3  }
0x1: {  	(tag) =	ssettag $0x0;
	lr =	simm.s32 $0x1  }
0x2: {  	[smem:$0x3F9E] =	sst lr;
	_ =	strace $0xD0000000  }
0x3: {  	_ = 	snop  }
0x4: {  	_ = 	snop  }
0x5: {  	_ = 	snop  }
0x6: {  	_ = 	snop  }
0x7: {  	_ = 	snop  }
__scs_overlays_trampoline_lowered:
0x8: {  	[smem:$0x3FAD] =	sst s0  }
0x9: {  	[smem:$0x3FAE] =	sst s1  }
0xa: {  	[smem:$0x3FAF] =	sst s2  }
0xb: {  	[smem:$0x3FB0] =	sst s3  }
0xc: {  	[smem:$0x3FB1] =	sst s4  }
0xd: {  	[smem:$0x3FB2] =	sst s5  }
0xe: {  	[smem:$0x3FB3] =	sst s6  }
0xf: {  	[smem:$0x3FB4] =	sst s7  }
0x10: {  	[smem:$0x3FB5] =	sst s8  }
0x11: {  	[smem:$0x3FB6] =	sst s9;
	s0 =	simm.s32 @!p0 $0x0  }
0x12: {  	s1 =	sld [smem:$0x3F9C];
	s0 =	simm.s32 @p0 $0x1  }
0x13: {  	[smem:$0x3FB7] =	sst s0;
	s0 =	simm.s32 @!p1 $0x0  }
0x14: {  	s2 =	sld [smem:$0x3F9B];
	s0 =	simm.s32 @p1 $0x1  }
0x15: {  	[smem:$0x3FB8] =	sst s0;
	s0 =	simm.s32 @!p2 $0x0  }
0x16: {  	s3 =	sld [smem:$0x3FDB];
	s0 =	simm.s32 @p2 $0x1  }
0x17: {  	s4 =	simm.s32 $0x1BF5;
	[smem:$0x3FBA] =	sst s0  }
0x18: {  	s0 =	sld [smem:$0x3F9D];
	_ =	swait.ge [sflag:s4], $0x0  }
0x19: {  	s7 =	sld [smem:$0x3F9E]  }
0x1a: {  	s8 =	sadd.s32 $0xFFFFE003, lr  }
0x1b: {  	s9 =	sadd.s32 $0xFFFFFEF7, lr;
	s5 =	simm.s32 $0xFFFFFFFF;
	p2 =	slt.u32 s8, $0xFFFFF086  }
0x1c: {  	p1 =	slt.u32 s9, $0xF7A;
	s5 =	simm.s32 @!p2 $0x0  }
0x1d: {  	s5 =	simm.s32 @p1 $0x1;
	p0 =	seq.s32 s7, s2  }
0x1e: {  	s7 =	smul.u32 @!p0 $0xF7A, s2;
	p2 =	seq.s32 @!p0 s5, $0x0  }
0x1f: {  	s9 =	smul.u32 $0xF7A, s1;
	s8 =	simm.s32 @!p0 $0x1BF5;
	p2 =	por !p2, p0  }
0x20: {  	[sflag:s8] =	ssyncset.s32 @!p0 $0xFFFFF086;
	s6 =	sadd.s32 @!p0 s3, s7;
	s7 =	simm.s32 @!p0 $0x108  }
0x21: {  	s3 =	sadd.s32 s3, s9;
	s6 =	sadd.s32 @!p0 $0x88, s6;
	s7 =	simm.s32 @p2 $0x1082  }
0x22: {  	[simem:s7], [sflag:s8] =	dma.local @!p0 [hbm:s6], $0xF7A  }
0x23: {  	s9 =	sor.u32 $0xD0000000, s2;
	s6 =	simm.s32 $0x108;
	_ =	swait.ge @!p0 [sflag:s8], $0x0  }
0x24: {  	s3 =	sadd.s32 $0x88, s3;
	s6 =	simm.s32 @!p1 $0x1082;
	[sflag:s4] =	ssyncset.s32 $0xFFFFF086  }
0x25: {  	[simem:s6], [sflag:s4] =	dma.local [hbm:s3], $0xF7A  }
0x26: {  	[smem:$0x3F9E] =	sst s1;
	(tag) =	ssettag s2;
	_ =	strace s9  }
0x27: {  	s1 =	sld [smem:$0x3FAE]  }
0x28: {  	s2 =	sld [smem:$0x3FAF]  }
0x29: {  	s4 =	sld [smem:$0x3FB1]  }
0x2a: {  	p0 =	seq.s32 s5, $0x0;
	s5 =	sld [smem:$0x3FB2]  }
0x2b: {  	s6 =	sld [smem:$0x3FB3]  }
0x2c: {  	s7 =	sld [smem:$0x3FB4]  }
0x2d: {  	s3 =	simm.s32 $0x108;
	s8 =	sld [smem:$0x3FB5]  }
0x2e: {  	s3 =	simm.s32 @!p0 $0x1082;
	s9 =	sld [smem:$0x3FB6]  }
0x2f: {  	lr =	sadd.s32 s0, s3;
	s0 =	sld [smem:$0x3FAD]  }
0x30: {  	s3 =	sld [smem:$0x3FB0]  }
0x31: {  	[smem:$0x3FB9] =	sst s10  }
0x32: {  	s10 =	sld [smem:$0x3FB7];
	_ =	sdelay $0x3  }
0x33: {  	p0 =	seq.s32 s10, $0x1;
	s10 =	sld [smem:$0x3FB9];
	_ =	sdelay $0x3  }
0x34: {  	[smem:$0x3FB9] =	sst s10  }
0x35: {  	s10 =	sld [smem:$0x3FB8];
	_ =	sdelay $0x3  }
0x36: {  	p1 =	seq.s32 s10, $0x1;
	s10 =	sld [smem:$0x3FB9];
	_ =	sdelay $0x3  }
0x37: {  	[smem:$0x3FB9] =	sst s10  }
0x38: {  	s10 =	sld [smem:$0x3FBA]  }
0x39: {  	_ = 	snop;
	(pc) =	sbr.ind lr, $3  }
0x3a: {  	_ = 	snop  }
0x3b: {  	_ = 	snop  }
0x3c: {  	p2 =	seq.s32 s10, $0x1;
	s10 =	sld [smem:$0x3FB9]  }
0x3d: {  	_ =	shalt  }
0x3e: {  	_ =	shalt  }
0x3f: {  	_ =	shalt  }
0x40: {  	_ =	shalt  }
0x41: {  	_ =	shalt  }
0x42: {  	_ =	shalt  }
0x43: {  	_ =	shalt  }
0x44: {  	_ =	shalt  }
0x45: {  	_ =	shalt  }
0x46: {  	_ =	shalt  }
0x47: {  	_ =	shalt  }
0x48: {  	_ =	shalt  }
0x49: {  	_ =	shalt  }
0x4a: {  	_ =	shalt  }
0x4b: {  	_ =	shalt  }
0x4c: {  	_ =	shalt  }
0x4d: {  	_ =	shalt  }
0x4e: {  	_ =	shalt  }
0x4f: {  	_ =	shalt  }
0x50: {  	_ =	shalt  }
0x51: {  	_ =	shalt  }
0x52: {  	_ =	shalt  }
0x53: {  	_ =	shalt  }
0x54: {  	_ =	shalt  }
0x55: {  	_ =	shalt  }
0x56: {  	_ =	shalt  }
0x57: {  	_ =	shalt  }
0x58: {  	_ =	shalt  }
0x59: {  	_ =	shalt  }
0x5a: {  	_ =	shalt  }
0x5b: {  	_ =	shalt  }
0x5c: {  	_ =	shalt  }
0x5d: {  	_ =	shalt  }
0x5e: {  	_ =	shalt  }
0x5f: {  	_ =	shalt  }
0x60: {  	_ =	shalt  }
0x61: {  	_ =	shalt  }
0x62: {  	_ =	shalt  }
0x63: {  	_ =	shalt  }
0x64: {  	_ =	shalt  }
0x65: {  	_ =	shalt  }
0x66: {  	_ =	shalt  }
0x67: {  	_ =	shalt  }
0x68: {  	_ =	shalt  }
0x69: {  	_ =	shalt  }
0x6a: {  	_ =	shalt  }
0x6b: {  	_ =	shalt  }
0x6c: {  	_ =	shalt  }
0x6d: {  	_ =	shalt  }
0x6e: {  	_ =	shalt  }
0x6f: {  	_ =	shalt  }
0x70: {  	_ =	shalt  }
0x71: {  	_ =	shalt  }
0x72: {  	_ =	shalt  }
0x73: {  	_ =	shalt  }
0x74: {  	_ =	shalt  }
0x75: {  	_ =	shalt  }
0x76: {  	_ =	shalt  }
0x77: {  	_ =	shalt  }
0x78: {  	_ =	shalt  }
0x79: {  	_ =	shalt  }
0x7a: {  	_ =	shalt  }
0x7b: {  	_ =	shalt  }
0x7c: {  	_ =	shalt  }
0x7d: {  	_ =	shalt  }
0x7e: {  	_ =	shalt  }
0x7f: {  	_ =	shalt  }
0x80: {  	_ =	shalt  }
0x81: {  	_ =	shalt  }
0x82: {  	_ =	shalt  }
0x83: {  	_ =	shalt  }
0x84: {  	_ =	shalt  }
0x85: {  	_ =	shalt  }
0x86: {  	_ =	shalt  }
0x87: {  	_ =	shalt  }
.Lfunc_end0:
.L_simem_size_0:
called_computation_lowered:
.L_overlay_start_0:
0x88: {  	s2 =	sld [smem:$0x3FD9]  }
0x89: {  	s3 =	sld [smem:$0x3FFE];
	_ =	sdelay $0x1  }
0x8a: {  	s1 =	srdreg.scid  }
0x8b: {  	s0 =	sand.u32 $0x1, s1  }
0x8c: {  	s17 =	sshll.u32 s0, $0xA;
	s2 =	sadd.s32 s3, s2  }
0x8d: {  	s2 =	sadd.s32 s2, s17  }
0x8e: {  	[smem:$0x3FC5] =	sst s2  }
0x8f: {  	_ = 	snop  }
0x90: {  	s2 =	sld [smem:$0x3FC7]  }
0x91: {  	s18 =	sld [smem:$0x3FD0];
	(tm) =	ssettm $0x1  }
0x92: {  	s4 =	sld [smem:$0x3FFB];
	_ =	sdelay $0x3  }
0x93: {  	_ =	strace s4  }
0x94: {  	s4 =	sld [smem:$0x3FFC];
	_ =	sdelay $0x3  }
0x95: {  	_ =	strace s4  }
0x96: {  	s4 =	sld [smem:$0x3FFD];
	_ =	sdelay $0x3  }
0x97: {  	_ =	strace s4  }
0x98: {  	_ =	strace $0x8FFFFFFF  }
0x99: {  	s19 =	sld [smem:$0x3FDB];
	_ =	sdelay $0x1  }
0x9a: {  	s5 =	simm.s32 $_scs_section_size  }
0x9b: {  	s6 =	simm.s32 $_size__tile_overlayer_lowered;
	s7 =	simm.s32 $_tile_overlayer_lowered  }
0x9c: {  	s22 =	simm.s32 $0x1BFF;
	s21 =	sshll.u32 s7, $0x1;
	s4 =	sadd.s32 s5, s19  }
0x9d: {  	s8 =	simm.s32 $0x0;
	s20 =	sshll.u32 s6, $0x1;
	s6 =	sadd.s32 s21, s4  }
0x9e: {  	[timem:s8], [sflag:s22] =	dma.local [hbm:s6], s20  }
0x9f: {  	_ =	swait.ge [sflag:s22], s20  }
0xa0: {  	s5 =	ssub.s32 $0x0, s20;
	[sflag:s22] =	ssyncset.done $0x0  }
0xa1: {  	[sflag:s22] =	ssyncadd.s32 s5;
	_ =	sdelay $0x1  }
0xa2: {  	s23 =	simm.s32 $0x1B8B  }
0xa3: {  	_ =	swait.ge [sflag:s23], $0x1  }
0xa4: {  	[sflag:s23] =	ssyncset.done $0x0  }
0xa5: {  	s25 =	simm.s32 $0x1B8E;
	s24 =	sld [smem:$0x3FFE];
	[sflag:s23] =	ssyncadd.s32 $0xFFFFFFFF  }
0xa6: {  	s26 =	simm.s32 $execute0_lowered;
	[smem:$0x3FD2] =	sst s25  }
0xa7: {  	s6 =	sshll.u32 s26, $0x1;
	_ =	strace $0x80000046;
	[dreg:$0x1] =	wrdreg $0xFFFFFFFF  }
0xa8: {  	s28 =	simm.s32 $_size_execute0_lowered;
	s4 =	sadd.s32 s4, s6;
	[dreg:$0x0] =	wrdreg $0x0  }
0xa9: {  	s6 =	sshll.u32 s28, $0x1;
	[dreg:$0x2] =	wrdreg s4  }
0xaa: {  	[dreg:$0x3] =	wrdreg s6  }
0xab: {  	[dreg:$0x4] =	wrdreg $0xC0  }
0xac: {  	_ =	task [dreg:s8], $0x5FFFF  }
0xad: {  	[dreg:$0x1] =	wrdreg $0xFFFFFFFF  }
0xae: {  	[dreg:$0x0] =	wrdreg $0x60  }
0xaf: {  	[dreg:$0x2] =	wrdreg s24  }
0xb0: {  	[dreg:$0x3] =	wrdreg s2  }
0xb1: {  	[dreg:$0x4] =	wrdreg s18  }
0xb2: {  	[dreg:$0x5] =	wrdreg $0x9  }
0xb3: {  	_ =	task.clear_ibuf [dreg:s8], $0x6FFFF;
	_ =	strace $0x90000046  }
0xb4: {  	s29 =	simm.s32 $0x9;
	_ =	strace $0x80000048  }
0xb5: {  	_ =	swait.ge [sflag:s29], $0x1  }
0xb6: {  	[sflag:s29] =	ssyncadd.s32 $0xFFFFFFFF  }
0xb7: {  	_ =	strace $0x90000048  }
0xb8: {  	_ =	sfence  }
0xb9: {  	s30 =	sld [smem:$0x0];
	_ =	sdelay $0x2  }
0xba: {  	s31 =	sshll.u32 s1, $0xD;
	s1 =	sshrl.u32 s1, $0x2  }
0xbb: {  	s3 =	sand.u32 $0x4000, s31;
	s1 =	sadd.s32 s1, s30  }
0xbc: {  	s0 =	sor.u32 s3, s0;
	s1 =	sshll.u32 s1, $0x11  }
0xbd: {  	s0 =	sor.u32 s1, s0  }
0xbe: {  	s0 =	sadd.s32 $0x8F2B, s0  }
0xbf: {  	[sflag:s0] =	ssyncadd.remote.s32 $0x1  }
0xc0: {  	_ =	sfence.sel $0xFFFF  }
0xc1: {  	[dreg:$0x0] =	wrdreg $0xFFFFFFFF;
	(pc) =	sbr.abs _section_cstart, $3  }
0xc2: {  	[dreg:$0x1] =	wrdreg $0xFFFFFFFF  }
0xc3: {  	_ =	task.clear_ibuf [dreg:s8], $0x2FFFF;
	_ =	strace $0x9FFFFFFF  }
0xc4: {  	(tm) =	ssettm $0x7FFFFFFF  }
0xc5: {  	_ =	shalt  }
tec
execute0_lowered:
.L_overlay_start_1:
0x0: {  	(tag) =	ssettag $0x1  }
0x1: {  	s0 =	rddreg [dreg:$0x0]  }
0x2: {  	s2 =	rddreg [dreg:$0x1]  }
0x3: {  	s1 =	rddreg [dreg:$0x2]  }
0x4: {  	s3 =	srdreg.scid;
	s5 =	stileid.u32;
	s8 =	simm.s32 $0x5  }
0x5: {  	s9 =	simm.s32 $0x80;
	s15 =	simm.s32 $0x8A00;
	s17 =	simm.s32 $0x8C00  }
0x6: {  	s10 =	simm.s32 $0x8D00;
	s11 =	simm.s32 $0x380;
	s12 =	simm.s32 $0x3A00  }
0x7: {  	s13 =	simm.s32 $0x580;
	s14 =	simm.s32 $0x7A00;
	s16 =	simm.s32 $0x780  }
0x8: {  	s18 =	simm.s32 $0x8B80;
	s19 =	simm.s32 $0x980;
	s20 =	simm.s32 $0x8D80  }
0x9: {  	s21 =	simm.s32 $0x1;
	s22 =	simm.s32 $0x2;
	s23 =	simm.s32 $0x3  }
0xa: {  	s24 =	simm.s32 $0x4;
	s25 =	simm.s32 $0x8E00;
	s26 =	simm.s32 $0x0  }
0xb: {  	s4 =	sand.u32 $0x1, s3;
	s3 =	simm.s32 $0x0;
	s5 =	sshll.u32 s5, $0xA  }
0xc: {  	s6 =	sshll.u32 s4, $0x9;
	[smem:$0x7FF] =	sst s3;
	s7 =	ssub.s32 $0x2, s4  }
0xd: {  	s4 =	sadd.s32 $0xF42800, s0;
	s6 =	sor.u32 s6, s5;
	_ =	strace $0x80000047  }
0xe: {  	s31 =	sshrl.u32 s7, $0x1;
	s5 =	sshrl.u32 s6, $0x3;
	s6 =	sshll.u32 s6, $0x2  }
0xf: {  	s5 =	sadd.s32 s5, s0;
	s0 =	ssub.s32 s7, s31;
	s6 =	sadd.s32 s1, s6  }
0x10: {  	s1 =	simm.s32 $0x900;
	s5 =	sadd.s32 $0x400, s5;
	s7 =	smax.u32 s0, $0x1  }
.LBB2_1:
0x11: {  	[tilespmem:s3], [sflag:$0x5] =	stream.linear.gather [hbm4b:s5+s3], $0x200, $0x38;
	[tilespmem:$0xCE00] =	vst v63  }
0x12: {  	_ =	swait.ge [sflag:s8], $0x200  }
0x13: {  	[sflag:s8] =	ssyncset.done $0x0  }
0x14: {  	s28 =	simm.s32 $0x0;
	[sflag:s8] =	ssyncadd.s32 $0xFFFFFE00  }
0x15: {  	v0 =	vld [tilespmem:s28+$0x0];
	_ =	sdelay $0x4  }
0x16: {  	v1 =	vand.u32 $0xFFFF, v0;
	v0 =	vshrl.u32 v0, $0x10  }
0x17: {  	v2 =	vmul.u32 $0x6B30, v0;
	v3 =	vmul.u32 $0xECCD, v0;
	v4 =	vmul.u32 $0x700E, v1  }
0x18: {  	v5 =	vmul.u32 $0x3107, v1;
	v6 =	vmul.u32 $0x5D75, v0;
	v7 =	vmul.u32 $0x1CB3, v1  }
0x19: {  	v8 =	vmul.u32 $0xE2D4, v0;
	v9 =	vmul.u32 $0x7F66, v1;
	v3 =	vadd.s32 v4, v3  }
0x1a: {  	v2 =	vadd.s32 v5, v2;
	v5 =	vmul.u32 $0xECCD, v1;
	v4 =	vshll.u32 v3, $0x10  }
0x1b: {  	v11 =	vmul.u32 $0x620E, v0;
	v3 =	vshrl.u32 v3, $0xF;
	v4 =	vand.u32 $0x7FFF0000, v4  }
0x1c: {  	v6 =	vadd.s32 v7, v6;
	v3 =	vadd.s32 v3, v4;
	v4 =	vshrl.u32 v5, $0x1F  }
0x1d: {  	v5 =	vand.u32 $0x7FFFFFFF, v5;
	v7 =	vshrl.u32 v3, $0x1F;
	v3 =	vand.u32 $0x7FFFFFFF, v3  }
0x1e: {  	v10 =	vshll.u32 v2, $0x10;
	v4 =	vadd.s32 v5, v4;
	v3 =	vadd.s32 v3, v7  }
0x1f: {  	v2 =	vshrl.u32 v2, $0xF;
	v7 =	vadd.s32 $0x80000001, v4;
	v5 =	vadd.s32 $0x80000001, v3  }
0x20: {  	v10 =	vand.u32 $0x7FFF0000, v10;
	v4 =	vmin.u32 v7, v4;
	v3 =	vmin.u32 v5, v3  }
0x21: {  	v7 =	vadd.s32 v9, v8;
	v8 =	vmul.u32 $0xE01C, v0;
	v3 =	vadd.s32 v4, v3  }
0x22: {  	v2 =	vadd.s32 v2, v10;
	v4 =	vshrl.u32 v3, $0x1F;
	v3 =	vand.u32 $0x7FFFFFFF, v3  }
0x23: {  	v5 =	vshll.u32 v6, $0x10;
	v8 =	vadd.s32 $0x490D4298, v8;
	v3 =	vadd.s32 v3, v4  }
0x24: {  	v4 =	vand.u32 $0x7FFF0000, v5;
	v5 =	vshrl.u32 v8, $0x1F;
	v8 =	vand.u32 $0x7FFFFFFC, v8  }
0x25: {  	v10 =	vshll.u32 v7, $0x10;
	v9 =	vadd.s32 $0x80000001, v3;
	v5 =	vor.u32 v8, v5  }
0x26: {  	v8 =	vshrl.u32 v2, $0x1F;
	v2 =	vand.u32 $0x7FFFFFFF, v2;
	v3 =	vmin.u32 v9, v3  }
0x27: {  	v9 =	vand.u32 $0x7FFE0000, v10;
	v2 =	vadd.s32 v2, v8;
	v3 =	vadd.s32 v5, v3  }
0x28: {  	v8 =	vmul.u32 $0x5D75, v1;
	v5 =	vshrl.u32 v6, $0xF;
	v6 =	vshrl.u32 v3, $0x1F  }
0x29: {  	v3 =	vand.u32 $0x7FFFFFFF, v3;
	v4 =	vor.u32 v5, v4;
	v5 =	vshrl.u32 v7, $0xF  }
0x2a: {  	v3 =	vadd.s32 v3, v6;
	v6 =	vmul.u32 $0xE2D4, v1;
	vm0 =	veq.s32 v4, $0x7FFFFFFF  }
0x2b: {  	v5 =	vor.u32 v5, v9;
	v9 =	vadd.s32 $0x80000001, v2;
	v1 =	vmul.u32 $0x6B30, v1  }
0x2c: {  	v7 =	vadd.s32 $0x80000001, v3;
	vm1 =	veq.s32 v5, $0x7FFFFFFF;
	v4 =	vsel vm0, $0x0, v4  }
0x2d: {  	v2 =	vmin.u32 v9, v2;
	v3 =	vmin.u32 v7, v3;
	v10 =	vshrl.u32 v6, $0x1F  }
0x2e: {  	v6 =	vand.u32 $0x7FFFFFFC, v6;
	v5 =	vsel vm1, $0x0, v5;
	v7 =	vcvt.s32.f32 v3  }
0x2f: {  	v4 =	vadd.s32 v8, v4;
	v1 =	vadd.s32 v1, v2;
	v8 =	vmul.u32 $0xFECC, v0  }
0x30: {  	v0 =	vmul.u32 $0x3966, v0;
	v2 =	vor.u32 v6, v10;
	v7 =	vmul.f32 $7.999999980e-06, v7  }
0x31: {  	v9 =	vshrl.u32 v1, $0x1F;
	v1 =	vand.u32 $0x7FFFFFFF, v1;
	v2 =	vadd.s32 v2, v5  }
0x32: {  	v5 =	vshrl.u32 v4, $0x1F;
	v4 =	vand.u32 $0x7FFFFFFF, v4;
	v7 =	vtrunc.f32 v7  }
0x33: {  	v1 =	vadd.s32 v1, v9;
	v4 =	vadd.s32 v4, v5;
	v6 =	vcvt.f32.s32 v7  }
0x34: {  	v5 =	vshrl.u32 v2, $0x1F;
	v2 =	vand.u32 $0x7FFFFFFF, v2;
	v9 =	vadd.s32 $0x80000001, v4  }
0x35: {  	v2 =	vadd.s32 v2, v5;
	v4 =	vmin.u32 v9, v4;
	v6 =	vmul.u32 $0xFFFE17B8, v6  }
0x36: {  	v5 =	vadd.s32 $0x80000001, v1;
	v7 =	vadd.s32 $0x1F428526, v11;
	v0 =	vadd.s32 v4, v0  }
0x37: {  	v3 =	vadd.s32 v3, v6;
	v6 =	vshrl.u32 v7, $0x1F;
	v7 =	vand.u32 $0x7FFFFFFE, v7  }
0x38: {  	v1 =	vmin.u32 v5, v1;
	v0 =	vadd.s32 $0x4577D7F9, v0;
	v6 =	vor.u32 v7, v6  }
0x39: {  	v7 =	vadd.s32 $0x515DDC35, v8;
	v8 =	vadd.s32 $0x80000001, v2;
	vm0 =	veq.s32 v6, $0x7FFFFFFF  }
0x3a: {  	v5 =	vshrl.u32 v7, $0x1F;
	v7 =	vand.u32 $0x7FFFFFFD, v7;
	v6 =	vsel vm0, $0x0, v6  }
0x3b: {  	v2 =	vmin.u32 v8, v2;
	v4 =	vadd.s32 v7, v5;
	v1 =	vadd.s32 v6, v1  }
0x3c: {  	v2 =	vadd.s32 v2, v4;
	v6 =	vshrl.u32 v0, $0x1F;
	v0 =	vand.u32 $0x7FFFFFFF, v0  }
0x3d: {  	v5 =	vshrl.u32 v1, $0x1F;
	v1 =	vand.u32 $0x7FFFFFFF, v1;
	v4 =	vshrl.u32 v2, $0x1F  }
0x3e: {  	v2 =	vand.u32 $0x7FFFFFFF, v2;
	v0 =	vadd.s32 v0, v6;
	v1 =	vadd.s32 v1, v5  }
0x3f: {  	v2 =	vadd.s32 v2, v4;
	v4 =	vadd.s32 $0x80000001, v0;
	v5 =	vadd.s32 $0x80000001, v1  }
0x40: {  	v4 =	vmin.u32 v4, v0;
	v1 =	vmin.u32 v5, v1;
	v5 =	vadd.s32 $0x80000001, v2  }
0x41: {  	v0 =	vcvt.s32.f32 v1;
	v5 =	vmin.u32 v5, v2;
	v2 =	vcvt.s32.f32 v4  }
0x42: {  	vm0 =	vlt.s32 v3, $0x0;
	v6 =	vadd.s32 $0x1E848, v3;
	v7 =	vcvt.s32.f32 v5  }
0x43: {  	v3 =	vsel vm0, v6, v3;
	v0 =	vmul.f32 $9.999999970e-07, v0;
	v2 =	vmul.f32 $7.999999980e-06, v2  }
0x44: {  	vm0 =	vgt.s32 v3, $0x1E847;
	v6 =	vmul.f32 $9.999999970e-07, v7  }
0x45: {  	v7 =	vadd.s32 $0xFFFE17B8, v3;
	v0 =	vtrunc.f32 v0;
	v2 =	vtrunc.f32 v2  }
0x46: {  	v3 =	vsel vm0, v7, v3;
	v0 =	vcvt.f32.s32 v0;
	v6 =	vtrunc.f32 v6  }
0x47: {  	s29 =	simm.s32 $0x10;
	[tilespmem:s28+$0x600] =	vst v3;
	v2 =	vcvt.f32.s32 v2;
	v3 =	vcvt.f32.s32 v6  }
0x48: {  	v6 =	vld [tilespmem:s29+$0x0];
	v0 =	vmul.u32 $0xFFF0BDC0, v0  }
0x49: {  	v7 =	vmul.u32 $0xFFFE17B8, v2;
	v3 =	vmul.u32 $0xFFF0BDC0, v3  }
0x4a: {  	v2 =	vadd.s32 v1, v0  }
0x4b: {  	v1 =	vadd.s32 v4, v7;
	vm0 =	vlt.s32 v2, $0x0;
	v0 =	vadd.s32 v5, v3  }
0x4c: {  	v4 =	vadd.s32 $0xF4240, v2;
	vm1 =	vlt.s32 v1, $0x0;
	v3 =	vadd.s32 $0x1E848, v1  }
0x4d: {  	v5 =	vand.u32 $0xFFFF, v6;
	v6 =	vshrl.u32 v6, $0x10;
	vm2 =	vlt.s32 v0, $0x0  }
0x4e: {  	v7 =	vmul.u32 $0x6B30, v6;
	v8 =	vmul.u32 $0xECCD, v6;
	v9 =	vmul.u32 $0x700E, v5  }
0x4f: {  	v10 =	vmul.u32 $0x3107, v5;
	v11 =	vmul.u32 $0x5D75, v6;
	v12 =	vmul.u32 $0x1CB3, v5  }
0x50: {  	v13 =	vmul.u32 $0xE2D4, v6;
	v14 =	vmul.u32 $0x7F66, v5;
	v47 =	vmul.u32 $0xE01C, v6  }
0x51: {  	v53 =	vmul.u32 $0x5D75, v5;
	v16 =	vmul.u32 $0x620E, v6;
	v57 =	vmul.u32 $0xFECC, v6  }
0x52: {  	v6 =	vmul.u32 $0x3966, v6;
	v8 =	vadd.s32 v9, v8;
	v7 =	vadd.s32 v10, v7  }
0x53: {  	v10 =	vmul.u32 $0xECCD, v5;
	v11 =	vadd.s32 v12, v11;
	v46 =	vadd.s32 v14, v13  }
0x54: {  	v13 =	vadd.s32 $0x490D4298, v47;
	v56 =	vadd.s32 $0x1F428526, v16;
	v9 =	vshll.u32 v8, $0x10  }
0x55: {  	v62 =	vadd.s32 $0x515DDC35, v57;
	v8 =	vshrl.u32 v8, $0xF;
	v9 =	vand.u32 $0x7FFF0000, v9  }
0x56: {  	v15 =	vshll.u32 v7, $0x10;
	v8 =	vadd.s32 v8, v9;
	v9 =	vshrl.u32 v10, $0x1F  }
0x57: {  	v10 =	vand.u32 $0x7FFFFFFF, v10;
	v44 =	vshrl.u32 v8, $0x1F;
	v8 =	vand.u32 $0x7FFFFFFF, v8  }
0x58: {  	v7 =	vshrl.u32 v7, $0xF;
	v9 =	vadd.s32 v10, v9;
	v8 =	vadd.s32 v8, v44  }
0x59: {  	v15 =	vand.u32 $0x7FFF0000, v15;
	v45 =	vadd.s32 $0x80000001, v9;
	v10 =	vadd.s32 $0x80000001, v8  }
0x5a: {  	v7 =	vadd.s32 v7, v15;
	v9 =	vmin.u32 v45, v9;
	v8 =	vmin.u32 v10, v8  }
0x5b: {  	v49 =	vshll.u32 v46, $0x10;
	v50 =	vshrl.u32 v7, $0x1F;
	v8 =	vadd.s32 v9, v8  }
0x5c: {  	v10 =	vshll.u32 v11, $0x10;
	v9 =	vshrl.u32 v8, $0x1F;
	v8 =	vand.u32 $0x7FFFFFFF, v8  }
0x5d: {  	v7 =	vand.u32 $0x7FFFFFFF, v7;
	v8 =	vadd.s32 v8, v9;
	v9 =	vand.u32 $0x7FFF0000, v10  }
0x5e: {  	v10 =	vshrl.u32 v13, $0x1F;
	v13 =	vand.u32 $0x7FFFFFFC, v13;
	v48 =	vadd.s32 $0x80000001, v8  }
0x5f: {  	v7 =	vadd.s32 v7, v50;
	v10 =	vor.u32 v13, v10;
	v8 =	vmin.u32 v48, v8  }
0x60: {  	v51 =	vand.u32 $0x7FFE0000, v49;
	v54 =	vadd.s32 $0x80000001, v7;
	v8 =	vadd.s32 v10, v8  }
0x61: {  	v7 =	vmin.u32 v54, v7;
	v10 =	vshrl.u32 v11, $0xF;
	v11 =	vshrl.u32 v8, $0x1F  }
0x62: {  	v8 =	vand.u32 $0x7FFFFFFF, v8;
	v9 =	vor.u32 v10, v9;
	v10 =	vshrl.u32 v46, $0xF  }
0x63: {  	v8 =	vadd.s32 v8, v11;
	v11 =	vmul.u32 $0xE2D4, v5;
	vm3 =	veq.s32 v9, $0x7FFFFFFF  }
0x64: {  	v10 =	vor.u32 v10, v51;
	v5 =	vmul.u32 $0x6B30, v5;
	v52 =	vadd.s32 $0x80000001, v8  }
0x65: {  	vm4 =	veq.s32 v10, $0x7FFFFFFF;
	v9 =	vsel vm3, $0x0, v9;
	v8 =	vmin.u32 v52, v8  }
0x66: {  	v55 =	vshrl.u32 v11, $0x1F;
	v11 =	vand.u32 $0x7FFFFFFC, v11;
	v12 =	vcvt.s32.f32 v8  }
0x67: {  	v10 =	vsel vm4, $0x0, v10;
	v9 =	vadd.s32 v53, v9;
	v5 =	vadd.s32 v5, v7  }
0x68: {  	v7 =	vor.u32 v11, v55;
	v58 =	vshrl.u32 v5, $0x1F;
	v12 =	vmul.f32 $7.999999980e-06, v12  }
0x69: {  	v7 =	vadd.s32 v7, v10;
	v10 =	vshrl.u32 v9, $0x1F;
	v9 =	vand.u32 $0x7FFFFFFF, v9  }
0x6a: {  	v5 =	vand.u32 $0x7FFFFFFF, v5;
	v9 =	vadd.s32 v9, v10;
	v12 =	vtrunc.f32 v12  }
0x6b: {  	v10 =	vshrl.u32 v7, $0x1F;
	v7 =	vand.u32 $0x7FFFFFFF, v7;
	v11 =	vcvt.f32.s32 v12  }
0x6c: {  	v5 =	vadd.s32 v5, v58;
	v61 =	vadd.s32 $0x80000001, v9;
	v7 =	vadd.s32 v7, v10  }
0x6d: {  	v10 =	vadd.s32 $0x80000001, v5;
	v63 =	vadd.s32 $0x80000001, v7;
	v11 =	vmul.u32 $0xFFFE17B8, v11  }
0x6e: {  	v9 =	vmin.u32 v61, v9;
	v5 =	vmin.u32 v10, v5;
	v10 =	vshrl.u32 v62, $0x1F  }
0x6f: {  	v12 =	vand.u32 $0x7FFFFFFE, v56;
	v7 =	vmin.u32 v63, v7;
	v8 =	vadd.s32 v8, v11  }
0x70: {  	v11 =	vshrl.u32 v56, $0x1F;
	vm3 =	vlt.s32 v8, $0x0;
	v59 =	vadd.s32 $0x1E848, v8  }
0x71: {  	v6 =	vadd.s32 v9, v6;
	v11 =	vor.u32 v12, v11;
	v8 =	vsel vm3, v59, v8  }
0x72: {  	v12 =	vand.u32 $0x7FFFFFFD, v62;
	vm3 =	vgt.s32 v8, $0x1E847;
	v60 =	vadd.s32 $0xFFFE17B8, v8  }
0x73: {  	v9 =	vadd.s32 v12, v10;
	v8 =	vsel vm3, v60, v8;
	vm3 =	veq.s32 v11, $0x7FFFFFFF  }
0x74: {  	v6 =	vadd.s32 $0x4577D7F9, v6;
	v7 =	vadd.s32 v7, v9;
	v11 =	vsel vm3, $0x0, v11  }
0x75: {  	v9 =	vshrl.u32 v7, $0x1F;
	v5 =	vadd.s32 v11, v5;
	v11 =	vshrl.u32 v6, $0x1F  }
0x76: {  	v6 =	vand.u32 $0x7FFFFFFF, v6;
	v10 =	vshrl.u32 v5, $0x1F;
	v5 =	vand.u32 $0x7FFFFFFF, v5  }
0x77: {  	v7 =	vand.u32 $0x7FFFFFFF, v7;
	v6 =	vadd.s32 v6, v11;
	v5 =	vadd.s32 v5, v10  }
0x78: {  	v9 =	vadd.s32 v7, v9;
	v11 =	vadd.s32 $0x80000001, v6;
	v10 =	vadd.s32 $0x80000001, v5  }
0x79: {  	v7 =	vmin.u32 v10, v5;
	v10 =	vadd.s32 $0x80000001, v9;
	v5 =	vmin.u32 v11, v6  }
0x7a: {  	v11 =	vcvt.s32.f32 v7;
	v6 =	vmin.u32 v10, v9;
	v9 =	vcvt.s32.f32 v5  }
0x7b: {  	v4 =	vsel vm0, v4, v2;
	v2 =	vadd.s32 $0xF4240, v0;
	v10 =	vcvt.s32.f32 v6  }
0x7c: {  	v3 =	vsel vm1, v3, v1;
	v11 =	vmul.f32 $9.999999970e-07, v11;
	v9 =	vmul.f32 $7.999999980e-06, v9  }
0x7d: {  	vm0 =	vgt.s32 v4, $0xF423F;
	v0 =	vsel vm2, v2, v0;
	v10 =	vmul.f32 $9.999999970e-07, v10  }
0x7e: {  	v1 =	vadd.s32 $0xFFF0BDC0, v4;
	v2 =	vtrunc.f32 v11;
	v11 =	vtrunc.f32 v9  }
0x7f: {  	vm1 =	vgt.s32 v3, $0x1E847;
	v2 =	vcvt.f32.s32 v2;
	v9 =	vtrunc.f32 v10  }
0x80: {  	s30 =	simm.s32 $0x20;
	s31 =	simm.s32 $0xC0;
	[tilespmem:s29+$0x600] =	vst v8;
	v8 =	vadd.s32 $0xFFFE17B8, v3;
	v10 =	vcvt.f32.s32 v11;
	v9 =	vcvt.f32.s32 v9  }
.LBB2_2:
0x81: {  	p0 =	sne.s32 s31, $0x7C0;
	v11 =	vld [tilespmem:s30+$0x0];
	v2 =	vmul.u32 $0xFFF0BDC0, v2;
	vm2 =	vgt.s32 v0, $0xF423F;
	v12 =	vadd.s32 $0xFFF0BDC0, v0  }
0x82: {  	v4 =	vsel vm0, v1, v4;
	v9 =	vmul.u32 $0xFFF0BDC0, v9;
	v10 =	vmul.u32 $0xFFFE17B8, v10  }
0x83: {  	v3 =	vsel vm1, v8, v3;
	v1 =	vadd.s32 v7, v2;
	[tilespmem:s28+$0x200] =	vst v4;
	v7 =	vsel vm2, v12, v0  }
0x84: {  	vm0 =	vlt.s32 v1, $0x0;
	v0 =	vadd.s32 v6, v9;
	v2 =	vadd.s32 v5, v10;
	[tilespmem:s28+$0x800] =	vst v3  }
0x85: {  	v4 =	vadd.s32 $0xF4240, v1;
	vm1 =	vlt.s32 v2, $0x0;
	v3 =	vadd.s32 $0x1E848, v2;
	[tilespmem:s28+$0x400] =	vst v7;
	s28 =	smov.u32 s29;
	s29 =	smov.u32 s30  }
0x86: {  	vm2 =	vlt.s32 v0, $0x0;
	v6 =	vand.u32 $0xFFFF, v11;
	v5 =	vshrl.u32 v11, $0x10  }
0x87: {  	v7 =	vmul.u32 $0x6B30, v5;
	v8 =	vmul.u32 $0xECCD, v5;
	v9 =	vmul.u32 $0x700E, v6  }
0x88: {  	v10 =	vmul.u32 $0x3107, v6;
	v11 =	vmul.u32 $0x5D75, v5;
	v12 =	vmul.u32 $0x1CB3, v6  }
0x89: {  	v13 =	vmul.u32 $0xE2D4, v5;
	v14 =	vmul.u32 $0x7F66, v6;
	v8 =	vadd.s32 v9, v8  }
0x8a: {  	v7 =	vadd.s32 v10, v7;
	v10 =	vmul.u32 $0xECCD, v6;
	v9 =	vshll.u32 v8, $0x10  }
0x8b: {  	v15 =	vshll.u32 v7, $0x10;
	v8 =	vshrl.u32 v8, $0xF;
	v9 =	vand.u32 $0x7FFF0000, v9  }
0x8c: {  	v11 =	vadd.s32 v12, v11;
	v8 =	vadd.s32 v8, v9;
	v9 =	vshrl.u32 v10, $0x1F  }
0x8d: {  	v10 =	vand.u32 $0x7FFFFFFF, v10;
	v12 =	vshrl.u32 v8, $0x1F;
	v8 =	vand.u32 $0x7FFFFFFF, v8  }
0x8e: {  	v15 =	vand.u32 $0x7FFF0000, v15;
	v9 =	vadd.s32 v10, v9;
	v8 =	vadd.s32 v8, v12  }
0x8f: {  	v7 =	vshrl.u32 v7, $0xF;
	v12 =	vadd.s32 $0x80000001, v9;
	v10 =	vadd.s32 $0x80000001, v8  }
0x90: {  	v9 =	vmin.u32 v12, v9;
	v8 =	vmin.u32 v10, v8;
	v10 =	vshll.u32 v11, $0x10  }
0x91: {  	v12 =	vadd.s32 v14, v13;
	v13 =	vmul.u32 $0xE01C, v5;
	v8 =	vadd.s32 v9, v8  }
0x92: {  	v7 =	vadd.s32 v7, v15;
	v9 =	vshrl.u32 v8, $0x1F;
	v8 =	vand.u32 $0x7FFFFFFF, v8  }
0x93: {  	v13 =	vadd.s32 $0x490D4298, v13;
	v8 =	vadd.s32 v8, v9;
	v9 =	vand.u32 $0x7FFF0000, v10  }
0x94: {  	v10 =	vshrl.u32 v13, $0x1F;
	v13 =	vand.u32 $0x7FFFFFFC, v13;
	v14 =	vadd.s32 $0x80000001, v8  }
0x95: {  	v15 =	vshll.u32 v12, $0x10;
	v10 =	vor.u32 v13, v10;
	v8 =	vmin.u32 v14, v8  }
0x96: {  	v13 =	vshrl.u32 v7, $0x1F;
	v8 =	vadd.s32 v10, v8;
	v10 =	vshrl.u32 v11, $0xF  }
0x97: {  	v7 =	vand.u32 $0x7FFFFFFF, v7;
	v11 =	vshrl.u32 v8, $0x1F;
	v8 =	vand.u32 $0x7FFFFFFF, v8  }
0x98: {  	v14 =	vand.u32 $0x7FFE0000, v15;
	v9 =	vor.u32 v10, v9;
	v8 =	vadd.s32 v8, v11  }
0x99: {  	v10 =	vshrl.u32 v12, $0xF;
	v11 =	vmul.u32 $0xE2D4, v6;
	v12 =	vadd.s32 $0x80000001, v8  }
0x9a: {  	v7 =	vadd.s32 v7, v13;
	vm3 =	veq.s32 v9, $0x7FFFFFFF;
	v8 =	vmin.u32 v12, v8  }
0x9b: {  	v13 =	vmul.u32 $0x5D75, v6;
	v10 =	vor.u32 v10, v14;
	v12 =	vcvt.s32.f32 v8  }
0x9c: {  	v14 =	vadd.s32 $0x80000001, v7;
	vm4 =	veq.s32 v10, $0x7FFFFFFF;
	v9 =	vsel vm3, $0x0, v9  }
0x9d: {  	v15 =	vshrl.u32 v11, $0x1F;
	v11 =	vand.u32 $0x7FFFFFFC, v11;
	v12 =	vmul.f32 $7.999999980e-06, v12  }
0x9e: {  	v16 =	vmul.u32 $0x620E, v5;
	v6 =	vmul.u32 $0x6B30, v6;
	v7 =	vmin.u32 v14, v7  }
0x9f: {  	v10 =	vsel vm4, $0x0, v10;
	v9 =	vadd.s32 v13, v9;
	v12 =	vtrunc.f32 v12  }
0xa0: {  	v6 =	vadd.s32 v6, v7;
	v7 =	vor.u32 v11, v15;
	v11 =	vcvt.f32.s32 v12  }
0xa1: {  	v7 =	vadd.s32 v7, v10;
	v10 =	vshrl.u32 v9, $0x1F;
	v9 =	vand.u32 $0x7FFFFFFF, v9  }
0xa2: {  	v13 =	vmul.u32 $0xFECC, v5;
	v12 =	vadd.s32 $0x1F428526, v16;
	v11 =	vmul.u32 $0xFFFE17B8, v11  }
0xa3: {  	v14 =	vshrl.u32 v6, $0x1F;
	v6 =	vand.u32 $0x7FFFFFFF, v6;
	v9 =	vadd.s32 v9, v10  }
0xa4: {  	v10 =	vshrl.u32 v7, $0x1F;
	v7 =	vand.u32 $0x7FFFFFFF, v7;
	v8 =	vadd.s32 v8, v11  }
0xa5: {  	v11 =	vshrl.u32 v12, $0x1F;
	vm3 =	vlt.s32 v8, $0x0;
	v15 =	vadd.s32 $0x1E848, v8  }
0xa6: {  	v6 =	vadd.s32 v6, v14;
	v12 =	vand.u32 $0x7FFFFFFE, v12;
	v8 =	vsel vm3, v15, v8  }
0xa7: {  	v15 =	vadd.s32 $0x80000001, v9;
	vm3 =	vgt.s32 v8, $0x1E847;
	v14 =	vadd.s32 $0xFFFE17B8, v8  }
0xa8: {  	v7 =	vadd.s32 v7, v10;
	v11 =	vor.u32 v12, v11;
	v8 =	vsel vm3, v14, v8  }
0xa9: {  	v5 =	vmul.u32 $0x3966, v5;
	v10 =	vadd.s32 $0x80000001, v6;
	v12 =	vadd.s32 $0x515DDC35, v13;
	[tilespmem:s29+$0x600] =	vst v8  }
0xaa: {  	v9 =	vmin.u32 v15, v9;
	vm3 =	veq.s32 v11, $0x7FFFFFFF;
	v8 =	vadd.s32 $0x80000001, v7  }
0xab: {  	v6 =	vmin.u32 v10, v6;
	v10 =	vshrl.u32 v12, $0x1F;
	v12 =	vand.u32 $0x7FFFFFFD, v12  }
0xac: {  	v5 =	vadd.s32 v9, v5;
	v11 =	vsel vm3, $0x0, v11;
	v7 =	vmin.u32 v8, v7  }
0xad: {  	v5 =	vadd.s32 $0x4577D7F9, v5;
	v6 =	vadd.s32 v11, v6;
	v8 =	vadd.s32 v12, v10  }
0xae: {  	v9 =	vshrl.u32 v6, $0x1F;
	v6 =	vand.u32 $0x7FFFFFFF, v6;
	v7 =	vadd.s32 v7, v8  }
0xaf: {  	v10 =	vshrl.u32 v5, $0x1F;
	v5 =	vand.u32 $0x7FFFFFFF, v5;
	v8 =	vshrl.u32 v7, $0x1F  }
0xb0: {  	v5 =	vadd.s32 v5, v10;
	v6 =	vadd.s32 v6, v9;
	v7 =	vand.u32 $0x7FFFFFFF, v7  }
0xb1: {  	v10 =	vadd.s32 $0x80000001, v5;
	v9 =	vadd.s32 $0x80000001, v6;
	v8 =	vadd.s32 v7, v8  }
0xb2: {  	v5 =	vmin.u32 v10, v5;
	v7 =	vmin.u32 v9, v6;
	v6 =	vadd.s32 $0x80000001, v8  }
0xb3: {  	v9 =	vcvt.s32.f32 v7;
	v6 =	vmin.u32 v6, v8;
	v8 =	vcvt.s32.f32 v5  }
0xb4: {  	v4 =	vsel vm0, v4, v1;
	v1 =	vadd.s32 $0xF4240, v0;
	v10 =	vcvt.s32.f32 v6  }
.Ltmp0:
0xb5: {  	v3 =	vsel vm1, v3, v2;
	v9 =	vmul.f32 $9.999999970e-07, v9;
	v8 =	vmul.f32 $7.999999980e-06, v8;
	(pc) =	sbr.rel @p0 .LBB2_2-.Ltmp0, $4  }
0xb6: {  	vm0 =	vgt.s32 v4, $0xF423F;
	v0 =	vsel vm2, v1, v0;
	v10 =	vmul.f32 $9.999999970e-07, v10  }
0xb7: {  	v1 =	vadd.s32 $0xFFF0BDC0, v4;
	v2 =	vtrunc.f32 v9;
	v8 =	vtrunc.f32 v8  }
0xb8: {  	vm1 =	vgt.s32 v3, $0x1E847;
	v2 =	vcvt.f32.s32 v2;
	v9 =	vtrunc.f32 v10  }
0xb9: {  	s30 =	sshra.s32 s31, $0x2;
	s31 =	sadd.s32 $0x40, s31;
	v10 =	vcvt.f32.s32 v8;
	v8 =	vadd.s32 $0xFFFE17B8, v3;
	v9 =	vcvt.f32.s32 v9  }
0xba: {  	v12 =	vmul.u32 $0xFFF0BDC0, v2  }
0xbb: {  	v11 =	vld [tilespmem:s30+$0x0];
	vm2 =	vgt.s32 v0, $0xF423F;
	v13 =	vadd.s32 $0xFFF0BDC0, v0;
	v2 =	vsel vm0, v1, v4  }
0xbc: {  	v9 =	vmul.u32 $0xFFF0BDC0, v9;
	v10 =	vmul.u32 $0xFFFE17B8, v10;
	v4 =	vadd.s32 v7, v12  }
0xbd: {  	v1 =	vsel vm1, v8, v3;
	v0 =	vsel vm2, v13, v0;
	vm15 =	vlt.s32 v4, $0x0  }
0xbe: {  	v3 =	vadd.s32 v6, v9;
	v5 =	vadd.s32 v5, v10;
	v49 =	vadd.s32 $0xF4240, v4  }
0xbf: {  	vm6 =	vlt.s32 v5, $0x0;
	v57 =	vadd.s32 $0x1E848, v5;
	vm10 =	vlt.s32 v3, $0x0  }
0xc0: {  	v4 =	vsel vm15, v49, v4;
	v45 =	vand.u32 $0xFFFF, v11;
	v46 =	vshrl.u32 v11, $0x10  }
0xc1: {  	v5 =	vsel vm6, v57, v5;
	vm0 =	vgt.s32 v4, $0xF423F;
	v47 =	vmul.u32 $0xECCD, v46  }
0xc2: {  	v48 =	vmul.u32 $0x700E, v45;
	v11 =	vmul.u32 $0x6B30, v46;
	v50 =	vmul.u32 $0x3107, v45  }
0xc3: {  	v51 =	vmul.u32 $0x5D75, v46;
	v52 =	vmul.u32 $0x1CB3, v45;
	v15 =	vmul.u32 $0xECCD, v45  }
0xc4: {  	v16 =	vmul.u32 $0xE2D4, v46;
	v54 =	vmul.u32 $0x7F66, v45;
	v56 =	vmul.u32 $0xE01C, v46  }
0xc5: {  	v24 =	vmul.u32 $0xE2D4, v45;
	v26 =	vmul.u32 $0x5D75, v45;
	v7 =	vmul.u32 $0x6B30, v45  }
0xc6: {  	v28 =	vmul.u32 $0x620E, v46;
	v32 =	vmul.u32 $0xFECC, v46;
	v8 =	vmul.u32 $0x3966, v46  }
0xc7: {  	vm1 =	vgt.s32 v5, $0x1E847;
	v9 =	vadd.s32 v48, v47;
	v11 =	vadd.s32 v50, v11  }
0xc8: {  	v53 =	vshrl.u32 v15, $0x1F;
	v15 =	vand.u32 $0x7FFFFFFF, v15;
	v10 =	vadd.s32 v52, v51  }
0xc9: {  	v13 =	vadd.s32 $0x490D4298, v56;
	v27 =	vshrl.u32 v24, $0x1F;
	v31 =	vadd.s32 $0x1F428526, v28  }
0xca: {  	v51 =	vadd.s32 $0xF4240, v3;
	v14 =	vshll.u32 v9, $0x10;
	v9 =	vshrl.u32 v9, $0xF  }
0xcb: {  	v12 =	vadd.s32 v15, v53;
	v58 =	vshrl.u32 v13, $0x1F;
	v13 =	vand.u32 $0x7FFFFFFC, v13  }
0xcc: {  	v59 =	vshll.u32 v11, $0x10;
	v11 =	vshrl.u32 v11, $0xF;
	v61 =	vshll.u32 v10, $0x10  }
0xcd: {  	v10 =	vshrl.u32 v10, $0xF;
	v36 =	vshrl.u32 v31, $0x1F;
	v3 =	vsel vm10, v51, v3  }
0xce: {  	v53 =	vadd.s32 $0xFFF0BDC0, v4;
	v14 =	vand.u32 $0x7FFF0000, v14;
	v15 =	vadd.s32 $0x80000001, v12  }
0xcf: {  	v62 =	vand.u32 $0x7FFF0000, v61;
	vm11 =	vgt.s32 v3, $0xF423F;
	v9 =	vadd.s32 v9, v14  }
0xd0: {  	v10 =	vor.u32 v10, v62;
	v14 =	vshrl.u32 v9, $0x1F;
	v9 =	vand.u32 $0x7FFFFFFF, v9  }
0xd1: {  	v12 =	vmin.u32 v15, v12;
	vm7 =	veq.s32 v10, $0x7FFFFFFF;
	v9 =	vadd.s32 v9, v14  }
0xd2: {  	v14 =	vadd.s32 v54, v16;
	v16 =	vand.u32 $0x7FFF0000, v59;
	v10 =	vsel vm7, $0x0, v10  }
0xd3: {  	v54 =	vadd.s32 $0xFFFE17B8, v5;
	v55 =	vadd.s32 $0x80000001, v9;
	v11 =	vadd.s32 v11, v16  }
0xd4: {  	v20 =	vshll.u32 v14, $0x10;
	v22 =	vshrl.u32 v14, $0xF;
	v10 =	vadd.s32 v26, v10  }
0xd5: {  	v9 =	vmin.u32 v55, v9;
	v21 =	vshrl.u32 v11, $0x1F;
	v11 =	vand.u32 $0x7FFFFFFF, v11  }
0xd6: {  	v16 =	vand.u32 $0x7FFE0000, v20;
	v30 =	vshrl.u32 v10, $0x1F;
	v10 =	vand.u32 $0x7FFFFFFF, v10  }
0xd7: {  	v55 =	vadd.s32 $0xFFF0BDC0, v3;
	v9 =	vadd.s32 v12, v9;
	v11 =	vadd.s32 v11, v21  }
0xd8: {  	v10 =	vadd.s32 v10, v30;
	v12 =	vshrl.u32 v9, $0x1F;
	v9 =	vand.u32 $0x7FFFFFFF, v9  }
0xd9: {  	v25 =	vadd.s32 $0x80000001, v11;
	v38 =	vadd.s32 $0x80000001, v10;
	v9 =	vadd.s32 v9, v12  }
0xda: {  	v12 =	vor.u32 v13, v58;
	v11 =	vmin.u32 v25, v11;
	v13 =	vand.u32 $0x7FFFFFFC, v24  }
0xdb: {  	v10 =	vmin.u32 v38, v10;
	v60 =	vadd.s32 $0x80000001, v9;
	v13 =	vor.u32 v13, v27  }
0xdc: {  	v7 =	vadd.s32 v7, v11;
	v8 =	vadd.s32 v10, v8;
	v9 =	vmin.u32 v60, v9  }
0xdd: {  	v33 =	vshrl.u32 v7, $0x1F;
	v7 =	vand.u32 $0x7FFFFFFF, v7;
	v8 =	vadd.s32 $0x4577D7F9, v8  }
0xde: {  	v9 =	vadd.s32 v12, v9;
	v12 =	vor.u32 v22, v16;
	v7 =	vadd.s32 v7, v33  }
0xdf: {  	v16 =	vadd.s32 $0x515DDC35, v32;
	v43 =	vshrl.u32 v8, $0x1F;
	v8 =	vand.u32 $0x7FFFFFFF, v8  }
0xe0: {  	v63 =	vshrl.u32 v9, $0x1F;
	v9 =	vand.u32 $0x7FFFFFFF, v9;
	vm3 =	veq.s32 v12, $0x7FFFFFFF  }
0xe1: {  	v39 =	vadd.s32 $0x80000001, v7;
	v41 =	vshrl.u32 v16, $0x1F;
	v16 =	vand.u32 $0x7FFFFFFD, v16  }
0xe2: {  	v8 =	vadd.s32 v8, v43;
	v9 =	vadd.s32 v9, v63;
	v12 =	vsel vm3, $0x0, v12  }
0xe3: {  	v7 =	vmin.u32 v39, v7;
	v42 =	vadd.s32 v16, v41;
	v44 =	vadd.s32 $0x80000001, v8  }
0xe4: {  	v23 =	vadd.s32 $0x80000001, v9;
	v29 =	vadd.s32 v13, v12;
	v13 =	vand.u32 $0x7FFFFFFE, v31  }
0xe5: {  	v8 =	vmin.u32 v44, v8;
	v9 =	vmin.u32 v23, v9;
	v34 =	vshrl.u32 v29, $0x1F  }
0xe6: {  	v11 =	vand.u32 $0x7FFFFFFF, v29;
	v12 =	vor.u32 v13, v36;
	v47 =	vcvt.s32.f32 v8  }
0xe7: {  	v14 =	vcvt.s32.f32 v9;
	v11 =	vadd.s32 v11, v34;
	vm9 =	veq.s32 v12, $0x7FFFFFFF  }
0xe8: {  	v40 =	vadd.s32 $0x80000001, v11;
	v12 =	vsel vm9, $0x0, v12;
	v50 =	vmul.f32 $7.999999980e-06, v47  }
0xe9: {  	v14 =	vmul.f32 $7.999999980e-06, v14;
	v11 =	vmin.u32 v40, v11;
	v7 =	vadd.s32 v12, v7  }
0xea: {  	v12 =	vshrl.u32 v7, $0x1F;
	v7 =	vand.u32 $0x7FFFFFFF, v7;
	v10 =	vadd.s32 v11, v42  }
0xeb: {  	v14 =	vtrunc.f32 v14;
	v11 =	vshrl.u32 v10, $0x1F;
	v7 =	vadd.s32 v7, v12  }
0xec: {  	v10 =	vand.u32 $0x7FFFFFFF, v10;
	v14 =	vcvt.f32.s32 v14;
	v12 =	vadd.s32 $0x80000001, v7  }
0xed: {  	v10 =	vadd.s32 v10, v11;
	v11 =	vtrunc.f32 v50;
	v7 =	vmin.u32 v12, v7  }
0xee: {  	v45 =	vadd.s32 $0x80000001, v10;
	v11 =	vcvt.f32.s32 v11;
	v14 =	vmul.u32 $0xFFFE17B8, v14  }
0xef: {  	[tilespmem:s28+$0x800] =	vst v1;
	v1 =	vsel vm11, v55, v3;
	v46 =	vcvt.s32.f32 v7;
	v10 =	vmin.u32 v45, v10  }
0xf0: {  	[tilespmem:s28+$0x200] =	vst v2;
	v48 =	vcvt.s32.f32 v10;
	v2 =	vmul.u32 $0xFFFE17B8, v11;
	v9 =	vadd.s32 v9, v14  }
0xf1: {  	v49 =	vmul.f32 $9.999999970e-07, v46;
	vm8 =	vlt.s32 v9, $0x0;
	v35 =	vadd.s32 $0x1E848, v9  }
0xf2: {  	v13 =	vmul.f32 $9.999999970e-07, v48;
	v2 =	vadd.s32 v8, v2;
	v9 =	vsel vm8, v35, v9  }
0xf3: {  	v6 =	vtrunc.f32 v49;
	vm13 =	vlt.s32 v2, $0x0;
	vm2 =	vgt.s32 v9, $0x1E847  }
0xf4: {  	v37 =	vadd.s32 $0xFFFE17B8, v9;
	v6 =	vcvt.f32.s32 v6;
	v52 =	vtrunc.f32 v13  }
0xf5: {  	[tilespmem:s28+$0x400] =	vst v0;
	v57 =	vadd.s32 $0x1E848, v2;
	v9 =	vsel vm2, v37, v9;
	v12 =	vcvt.f32.s32 v52  }
0xf6: {  	v3 =	vsel vm1, v54, v5;
	v2 =	vsel vm13, v57, v2;
	v6 =	vmul.u32 $0xFFF0BDC0, v6;
	[tilespmem:s30+$0x600] =	vst v9  }
0xf7: {  	vm1 =	vgt.s32 v2, $0x1E847;
	v12 =	vmul.u32 $0xFFF0BDC0, v12;
	[tilespmem:s29+$0x400] =	vst v1;
	v1 =	vadd.s32 $0xFFFE17B8, v2  }
0xf8: {  	v4 =	vsel vm0, v53, v4;
	v6 =	vadd.s32 v7, v6;
	v1 =	vsel vm1, v1, v2  }
0xf9: {  	vm12 =	vlt.s32 v6, $0x0;
	v0 =	vadd.s32 v10, v12;
	v56 =	vadd.s32 $0xF4240, v6  }
0xfa: {  	[tilespmem:s29+$0x200] =	vst v4;
	vm14 =	vlt.s32 v0, $0x0;
	v58 =	vsel vm12, v56, v6;
	v59 =	vadd.s32 $0xF4240, v0  }
0xfb: {  	[tilespmem:s29+$0x800] =	vst v3;
	vm0 =	vgt.s32 v58, $0xF423F;
	v0 =	vsel vm14, v59, v0;
	v3 =	vadd.s32 $0xFFF0BDC0, v58  }
0xfc: {  	[tilespmem:s30+$0x800] =	vst v1;
	v3 =	vsel vm0, v3, v58;
	vm15 =	vgt.s32 v0, $0xF423F;
	v60 =	vadd.s32 $0xFFF0BDC0, v0  }
0xfd: {  	[tilespmem:s30+$0x200] =	vst v3;
	v0 =	vsel vm15, v60, v0  }
0xfe: {  	s0 =	simm.s32 $0x200;
	s28 =	simm.s32 $0xA00;
	[tilespmem:s30+$0x400] =	vst v0  }
0xff: {  	[tilespmem:s28], [sflag:$0x1] =	stream.indirect.gather [hbm4b:s4+s9], $0x20, s0, s9, $0xb8;
	[tilespmem:$0xCE00] =	vst v63  }
0x100: {  	s0 =	simm.s32 $0x400;
	s28 =	simm.s32 $0x4A00  }
0x101: {  	[tilespmem:s28], [sflag:$0x2] =	stream.indirect.gather [hbm4b:s4+s9], $0x20, s0, s9, $0xb8;
	[tilespmem:$0xCE00] =	vst v63  }
0x102: {  	s0 =	simm.s32 $0x600  }
0x103: {  	[tilespmem:s15], [sflag:$0x3] =	stream.indirect.gather [hbm4b:s2+s9], $0x1, s0, s9, $0xb8;
	[tilespmem:$0xCE00] =	vst v63  }
0x104: {  	s0 =	simm.s32 $0x800  }
0x105: {  	[tilespmem:s17], [sflag:$0x4] =	stream.indirect.gather [hbm4b:s2+s9], $0x1, s0, s9, $0xb8;
	[tilespmem:$0xCE00] =	vst v63  }
0x106: {  	s28 =	simm.s32 $0x1A00;
	s0 =	simm.s32 $0x280  }
0x107: {  	[tilespmem:s28], [sflag:$0x1] =	stream.indirect.gather [hbm4b:s4+s9], $0x20, s0, s9, $0xb8;
	[tilespmem:$0xCE00] =	vst v63  }
0x108: {  	s0 =	simm.s32 $0x480;
	s28 =	simm.s32 $0x5A00  }
0x109: {  	[tilespmem:s28], [sflag:$0x2] =	stream.indirect.gather [hbm4b:s4+s9], $0x20, s0, s9, $0xb8;
	[tilespmem:$0xCE00] =	vst v63  }
0x10a: {  	s0 =	simm.s32 $0x680;
	s28 =	simm.s32 $0x8A80  }
0x10b: {  	[tilespmem:s28], [sflag:$0x3] =	stream.indirect.gather [hbm4b:s2+s9], $0x1, s0, s9, $0xb8;
	[tilespmem:$0xCE00] =	vst v63  }
0x10c: {  	s0 =	simm.s32 $0x880;
	s28 =	simm.s32 $0x8C80  }
0x10d: {  	[tilespmem:s28], [sflag:$0x4] =	stream.indirect.gather [hbm4b:s2+s9], $0x1, s0, s9, $0xb8;
	[tilespmem:$0xCE00] =	vst v63  }
0x10e: {  	s0 =	simm.s32 $0x300;
	s28 =	simm.s32 $0x2A00  }
0x10f: {  	[tilespmem:s28], [sflag:$0x1] =	stream.indirect.gather [hbm4b:s4+s9], $0x20, s0, s9, $0xb8;
	[tilespmem:$0xCE00] =	vst v63  }
0x110: {  	s0 =	simm.s32 $0x500;
	s28 =	simm.s32 $0x6A00  }
0x111: {  	[tilespmem:s28], [sflag:$0x2] =	stream.indirect.gather [hbm4b:s4+s9], $0x20, s0, s9, $0xb8;
	[tilespmem:$0xCE00] =	vst v63  }
0x112: {  	s0 =	simm.s32 $0x700;
	s28 =	simm.s32 $0x8B00  }
0x113: {  	[tilespmem:s28], [sflag:$0x3] =	stream.indirect.gather [hbm4b:s2+s9], $0x1, s0, s9, $0xb8;
	[tilespmem:$0xCE00] =	vst v63  }
0x114: {  	_ = 	snop  }
0x115: {  	[tilespmem:s10], [sflag:$0x4] =	stream.indirect.gather [hbm4b:s2+s9], $0x1, s1, s9, $0xb8;
	[tilespmem:$0xCE00] =	vst v63  }
0x116: {  	_ = 	snop  }
0x117: {  	[tilespmem:s12], [sflag:$0x1] =	stream.indirect.gather [hbm4b:s4+s9], $0x20, s11, s9, $0xb8;
	[tilespmem:$0xCE00] =	vst v63  }
0x118: {  	_ = 	snop  }
0x119: {  	[tilespmem:s14], [sflag:$0x2] =	stream.indirect.gather [hbm4b:s4+s9], $0x20, s13, s9, $0xb8;
	[tilespmem:$0xCE00] =	vst v63  }
0x11a: {  	_ = 	snop  }
0x11b: {  	[tilespmem:s18], [sflag:$0x3] =	stream.indirect.gather [hbm4b:s2+s9], $0x1, s16, s9, $0xb8;
	[tilespmem:$0xCE00] =	vst v63  }
0x11c: {  	_ = 	snop  }
0x11d: {  	[tilespmem:s20], [sflag:$0x4] =	stream.indirect.gather [hbm4b:s2+s9], $0x1, s19, s9, $0xb8;
	[tilespmem:$0xCE00] =	vst v63  }
0x11e: {  	_ =	swait.ge [sflag:s21], $0x1000  }
0x11f: {  	[sflag:s21] =	ssyncset.done $0x0  }
0x120: {  	[sflag:s21] =	ssyncadd.s32 $0xFFFFF000  }
0x121: {  	_ =	swait.ge [sflag:s22], $0x1000  }
0x122: {  	[sflag:s22] =	ssyncset.done $0x0  }
0x123: {  	[sflag:s22] =	ssyncadd.s32 $0xFFFFF000  }
0x124: {  	_ =	swait.ge [sflag:s23], $0x80  }
0x125: {  	[sflag:s23] =	ssyncset.done $0x0  }
0x126: {  	[sflag:s23] =	ssyncadd.s32 $0xFFFFFF80  }
0x127: {  	_ =	swait.ge [sflag:s24], $0x80  }
0x128: {  	[sflag:s24] =	ssyncset.done $0x0  }
0x129: {  	[sflag:s24] =	ssyncadd.s32 $0xFFFFFF80  }
0x12a: {  	_ =	swait.ge [sflag:s21], $0x1000  }
0x12b: {  	[sflag:s21] =	ssyncset.done $0x0  }
0x12c: {  	[sflag:s21] =	ssyncadd.s32 $0xFFFFF000  }
0x12d: {  	_ =	swait.ge [sflag:s22], $0x1000  }
0x12e: {  	[sflag:s22] =	ssyncset.done $0x0  }
0x12f: {  	[sflag:s22] =	ssyncadd.s32 $0xFFFFF000  }
0x130: {  	_ =	swait.ge [sflag:s23], $0x80  }
0x131: {  	[sflag:s23] =	ssyncset.done $0x0  }
0x132: {  	[sflag:s23] =	ssyncadd.s32 $0xFFFFFF80  }
0x133: {  	_ =	swait.ge [sflag:s24], $0x80  }
0x134: {  	[sflag:s24] =	ssyncset.done $0x0  }
0x135: {  	[sflag:s24] =	ssyncadd.s32 $0xFFFFFF80  }
0x136: {  	_ =	swait.ge [sflag:s21], $0x1000  }
0x137: {  	[sflag:s21] =	ssyncset.done $0x0  }
0x138: {  	[sflag:s21] =	ssyncadd.s32 $0xFFFFF000  }
0x139: {  	_ =	swait.ge [sflag:s22], $0x1000  }
0x13a: {  	[sflag:s22] =	ssyncset.done $0x0  }
0x13b: {  	[sflag:s22] =	ssyncadd.s32 $0xFFFFF000  }
0x13c: {  	_ =	swait.ge [sflag:s23], $0x80  }
0x13d: {  	[sflag:s23] =	ssyncset.done $0x0  }
0x13e: {  	[sflag:s23] =	ssyncadd.s32 $0xFFFFFF80  }
0x13f: {  	_ =	swait.ge [sflag:s24], $0x80  }
0x140: {  	[sflag:s24] =	ssyncset.done $0x0  }
0x141: {  	[sflag:s24] =	ssyncadd.s32 $0xFFFFFF80  }
0x142: {  	_ =	swait.ge [sflag:s21], $0x1000  }
0x143: {  	[sflag:s21] =	ssyncset.done $0x0  }
0x144: {  	[sflag:s21] =	ssyncadd.s32 $0xFFFFF000  }
0x145: {  	_ =	swait.ge [sflag:s22], $0x1000  }
0x146: {  	[sflag:s22] =	ssyncset.done $0x0  }
0x147: {  	[sflag:s22] =	ssyncadd.s32 $0xFFFFF000  }
0x148: {  	_ =	swait.ge [sflag:s23], $0x80  }
0x149: {  	[sflag:s23] =	ssyncset.done $0x0  }
0x14a: {  	[sflag:s23] =	ssyncadd.s32 $0xFFFFFF80  }
0x14b: {  	s0 =	simm.s32 $0x0;
	_ =	swait.ge [sflag:s24], $0x80  }
0x14c: {  	v0 =	vmov s0;
	[sflag:s24] =	ssyncset.done $0x0  }
0x14d: {  	s28 =	simm.s32 $0x4A10;
	[sflag:s24] =	ssyncadd.s32 $0xFFFFFF80  }
0x14e: {  	s29 =	simm.s32 $0xA10;
	v1 =	vld [tilespmem:s28+$0x0]  }
0x14f: {  	v2 =	vld [tilespmem:s29+$0x0]  }
0x150: {  	v3 =	vld [tilespmem:s29+$0xFFFFFFF0]  }
0x151: {  	v61 =	vld.idx.msk [tilespmem:v0+s15+$0x0], $0xffff  }
0x152: {  	v0 =	vld.idx.msk [tilespmem:v0+s17+$0x0], $0xffff  }
0x153: {  	v62 =	vld [tilespmem:s28+$0xFFFFFFF0];
	_ =	sdelay $0x3  }
0x154: {  	v3 =	vmul.f32 v3, v61;
	v2 =	vmul.f32 v2, v61  }
0x155: {  	v63 =	vmul.f32 v62, v0;
	v0 =	vmul.f32 v1, v0;
	_ =	sdelay $0x1  }
0x156: {  	s31 =	simm.s32 $0x1;
	s30 =	simm.s32 $0x8E10;
	s0 =	simm.s32 $0x8E10;
	v1 =	vadd.f32 v63, v3;
	v0 =	vadd.f32 v0, v2  }
.LBB2_4:
0x157: {  	s28 =	sadd.s32 $0x20, s28;
	s30 =	sadd.s32 $0x20, s30;
	s29 =	sadd.s32 $0x20, s29  }
0x158: {  	v2 =	vmov s31;
	p0 =	sne.s32 s31, $0x1FF;
	s31 =	sadd.s32 $0x1, s31;
	[tilespmem:s0+$0xFFFFFFF0] =	vst v1  }
0x159: {  	[tilespmem:s0+$0x0] =	vst v0;
	s0 =	smov.u32 s30  }
0x15a: {  	v0 =	vld [tilespmem:s28+$0x0]  }
0x15b: {  	v1 =	vld [tilespmem:s29+$0x0]  }
0x15c: {  	v3 =	vld [tilespmem:s29+$0xFFFFFFF0]  }
0x15d: {  	v4 =	vld.idx.msk [tilespmem:v2+s15+$0x0], $0xffff  }
0x15e: {  	v2 =	vld.idx.msk [tilespmem:v2+s17+$0x0], $0xffff  }
0x15f: {  	v5 =	vld [tilespmem:s28+$0xFFFFFFF0];
	_ =	sdelay $0x2  }
.Ltmp1:
0x160: {  	(pc) =	sbr.rel @p0 .LBB2_4-.Ltmp1, $3  }
0x161: {  	v3 =	vmul.f32 v3, v4;
	v4 =	vmul.f32 v1, v4  }
0x162: {  	v0 =	vmul.f32 v0, v2;
	v1 =	vmul.f32 v5, v2;
	_ =	sdelay $0x1  }
0x163: {  	v0 =	vadd.f32 v0, v4;
	v1 =	vadd.f32 v1, v3  }
0x164: {  	s26 =	sadd.s32 $0x1, s26  }
0x165: {  	[tilespmem:s0+$0xFFFFFFF0] =	vst v1;
	p0 =	sne.s32 s26, s7  }
.Ltmp2:
0x166: {  	[tilespmem:s0+$0x0] =	vst v0;
	(pc) =	sbr.rel @p0 .LBB2_1-.Ltmp2, $4  }
0x167: {  	[hbm4b:s6+s3] =	stream.linear.scatter [tilespmem:s25], [sflag:$0x5], $0x4000, $0x38;
	[tilespmem:$0xCE00] =	vst v63  }
0x168: {  	_ =	swait.ge [sflag:s8], $0x4000  }
0x169: {  	[sflag:s8] =	ssyncset.done $0x0  }
0x16a: {  	[sflag:s8] =	ssyncadd.s32 $0xFFFFC000  }
0x16b: {  	_ =	sfence.sel $0x180000  }
0x16c: {  	[bflag:$0x0] =	sbarrier.arrive $0xFFFF  }
0x16d: {  	_ =	strace $0x90000047  }
0x16e: {  	s0 =	stileid.u32;
	[bflag:$0x2] =	sbarrier.arrive $0xFFFF  }
0x16f: {  	p0 =	sne.s32 s0, $0x0;
	s0 =	rddreg [dreg:$0x3]  }
0x170: {  	s0 =	sadd.s32 @!p0 $0x100000, s0  }
0x171: {  	[sflag:s0] =	ssyncadd.tile.s32 @!p0 $0x1;
	_ =	shalt  }
.Lfunc_end2:
_tile_overlayer_lowered:
.L_overlay_start_2:
0x172: {  	(tag) =	ssettag $0x2  }
0x173: {  	s0 =	rddreg [dreg:$0x0];
	s2 =	stileid.u32  }
0x174: {  	s1 =	rddreg [dreg:$0x1];
	p0 =	sne.s32 s2, $0x0  }
0x175: {  	s3 =	rddreg [dreg:$0x2];
	[bflag:$0x3] =	sbarrier.arrive $0xFFFF;
	s2 =	simm.s32 @!p0 $0x1C05  }
0x176: {  	[timem:s3], [sflag:s2] =	dma.local @!p0 [hbm:s0], s1  }
0x177: {  	s0 =	simm.s32 @!p0 $0x5  }
0x178: {  	_ =	swait.ge @!p0 [sflag:s0], s1  }
0x179: {  	s1 =	ssub.s32 @!p0 $0x0, s1;
	[sflag:s0] =	ssyncset.done @!p0 $0x0  }
0x17a: {  	[sflag:s0] =	ssyncadd.s32 @!p0 s1  }
0x17b: {  	[bflag:$0x3] =	sbarrier.arrive $0xFFFF  }
0x17c: {  	_ =	shalt  }

</sc_bundles>
